<compile_context>
chip_gen: v7x
topology: tpu7x:2x2x1
jax: 0.10.2.dev20260603
libtpu: 0.0.44.dev20260713+nightly
codegen_flags: <defaults>
</compile_context>

<pallas_src>
import functools

import jax
import jax.numpy as jnp
from jax import lax
from jax.experimental import pallas as pl
from jax.experimental.pallas import tpu as pltpu
from jax.experimental.pallas import tpu_sc as plsc

_B = 16384
_F = 26
_V = 100000
_VP = 100096
_NC = 2
_NS = 16
_NW = _NC * _NS
_BPW = _B // _NW
_L = 16
_CH = 128
_NCH = _BPW // _CH


def _make_kernel():
    mesh = plsc.VectorSubcoreMesh(core_axis_name="c", subcore_axis_name="s")

    @functools.partial(
        pl.kernel,
        mesh=mesh,
        out_type=jax.ShapeDtypeStruct((_B,), jnp.float32),
        scratch_types=[
            pltpu.VMEM((_F, _BPW), jnp.int32),
            pltpu.VMEM((_F, _BPW), jnp.float32),
            pltpu.VMEM((_BPW,), jnp.float32),
            pltpu.VMEM((_L,), jnp.float32),
            pltpu.SemaphoreType.DMA,
        ],
    )
    def lr_sum(xt_hbm, tbl_hbm, bias_hbm, out_hbm, idx_v, vals_v, acc_v,
               bias_v, sem):
        wid = lax.axis_index("s") * _NC + lax.axis_index("c")
        base = wid * _BPW

        pltpu.sync_copy(xt_hbm.at[:, pl.ds(base, _BPW)], idx_v)
        pltpu.sync_copy(bias_hbm, bias_v)

        def field_body(f, _):
            off = f * _V
            for j in range(_BPW // _L):
                sl = pl.ds(j * _L, _L)
                idx_v[f, sl] = idx_v[f, sl] + off
            for c in range(_NCH):
                sl = pl.ds(c * _CH, _CH)
                pltpu.make_async_copy(
                    tbl_hbm.at[idx_v.at[f, sl]], vals_v.at[f, sl], sem,
                ).start()
            return 0

        lax.fori_loop(0, _F, field_body, 0)

        def drain_f(f, _):
            pltpu.make_async_copy(
                tbl_hbm.at[pl.ds(0, _BPW)], vals_v.at[f], sem,
            ).wait()
            return 0

        lax.fori_loop(0, _F, drain_f, 0)

        bias_vec = bias_v[...]

        def reduce_j(j, _):
            sl = pl.ds(j * _L, _L)
            acc = bias_vec
            for f in range(_F):
                acc = acc + vals_v[f, sl]
            acc_v[sl] = acc
            return 0

        lax.fori_loop(0, _BPW // _L, reduce_j, 0)

        pltpu.sync_copy(acc_v, out_hbm.at[pl.ds(base, _BPW)])

    return lr_sum


_LR_SUM = _make_kernel()


def kernel(X, tables, bias):
    xt = X.T
    tbl = jax.lax.optimization_barrier(tables[:, :, 0]).reshape(_F * _V)
    bias16 = jnp.broadcast_to(bias.astype(jnp.float32), (_L,))
    out = _LR_SUM(xt, tbl, bias16)
    return out.reshape(_B, 1)

# --- scband reference (transcript-rebuilt; emitter-appended) ---
"""Pipeline reference for scband-lr-layer-19481971655025 (READ-ONLY COPY).

The authoritative reference and input builder live on the scoring server;
editing this copy changes nothing except your own understanding.
"""

import jax, jax.numpy as jnp
import numpy as np

B = 16384
F = 26
V = 100000


def setup_inputs(seed: int = 0) -> dict:
    key = jax.random.key(seed)
    k1, k2, k3 = jax.random.split(key, 3)
    X = jax.random.randint(k1, (B, F), 0, V, dtype=jnp.int32)
    # One embedding table of dim 1 per sparse field, as in EmbeddingLayer(feature_map, 1)
    tables = jax.random.normal(k2, (F, V, 1), dtype=jnp.float32) * 0.01
    bias = jnp.zeros((1,), dtype=jnp.float32)
    return {"X": X, "tables": tables, "bias": bias}


def reference(X, tables, bias):
    # embed_weights = [tables[f][X[:, f]] for each field f]  -> list of [B, 1]
    # torch.stack(embed_weights).sum(dim=0)  -> [B, 1]
    emb = jax.vmap(lambda t, idx: jnp.take(t, idx, axis=0), in_axes=(0, 1))(tables, X)  # [F, B, 1]
    out = jnp.sum(emb, axis=0)  # [B, 1]
    out = out + bias
    # final_activation is None, so return linear output
    return out

if __name__ == "__main__":
    import jax
    _d = setup_inputs()
    print(jax.jit(kernel)(*tuple(_d.values())))

</pallas_src>

<mosaic_0001>
#map = affine_map<(d0, d1) -> (0, 0)>
#map1 = affine_map<(d0, d1) -> (0)>
module attributes {stable_mosaic.version = 14 : i64} {
  func.func @lr_sum(%arg0: i32, %arg1: i32, %arg2: memref<26x16384xi32, #tpu.memory_space<hbm>>, %arg3: memref<2600000xf32, #tpu.memory_space<hbm>>, %arg4: memref<16xf32, #tpu.memory_space<hbm>>, %arg5: memref<16384xf32, #tpu.memory_space<hbm>>, %arg6: memref<26x512xi32, #tpu.memory_space<vmem>>, %arg7: memref<26x512xf32, #tpu.memory_space<vmem>>, %arg8: memref<512xf32, #tpu.memory_space<vmem>>, %arg9: memref<16xf32, #tpu.memory_space<vmem>>, %arg10: memref<!tpu.dma_semaphore, #tpu.memory_space<semaphore_mem>>) attributes {dimension_semantics = [#tpu.dimension_semantics<core_parallel>, #tpu.dimension_semantics<subcore_parallel>], iteration_bounds = array<i64: 2, 16>, scalar_prefetch = 0 : i64, scratch_operands = 5 : i64, tpu.core_type = #tpu.core_type<sc_vector_subcore>, window_params = [{transform_indices = #map}, {transform_indices = #map1}, {transform_indices = #map1}, {transform_indices = #map1}]} {
    %mul3A = arith.constant 2 : i32
    %mul3A_0 = arith.muli %arg1, %mul3A : i32
    %add3A = arith.addi %mul3A_0, %arg0 : i32
    %mul3A_1 = arith.constant 512 : i32
    %mul3A_2 = arith.muli %add3A, %mul3A_1 : i32
    "tpu.region"() ({
      %run_scoped3A = tpu.sem_alloc : memref<!tpu.dma_semaphore, #tpu.memory_space<semaphore_mem>>
      %dma_start3A = arith.constant 0 : i32
      %dma_start3A_25 = tpu.memref_slice %arg2[%dma_start3A, %mul3A_2] : memref<26x16384xi32, #tpu.memory_space<hbm>> -> memref<26x512xi32, #tpu.memory_space<hbm>>
      %dma_start3A_26 = arith.constant 0 : i32
      %dma_start3A_27 = tpu.memref_slice %arg2[%dma_start3A_26, %mul3A_2] : memref<26x16384xi32, #tpu.memory_space<hbm>> -> memref<26x512xi32, #tpu.memory_space<hbm>>
      tpu.enqueue_dma source(%dma_start3A_27 : memref<26x512xi32, #tpu.memory_space<hbm>>) target(%arg6 : memref<26x512xi32, #tpu.memory_space<vmem>>) target_semaphore(%run_scoped3A : memref<!tpu.dma_semaphore, #tpu.memory_space<semaphore_mem>>)
      %dma_wait3A = arith.constant 0 : i32
      %dma_wait3A_28 = tpu.memref_slice %arg2[%dma_wait3A, %mul3A_2] : memref<26x16384xi32, #tpu.memory_space<hbm>> -> memref<26x512xi32, #tpu.memory_space<hbm>>
      %dma_wait3A_29 = arith.constant 0 : i32
      %dma_wait3A_30 = tpu.memref_slice %arg2[%dma_wait3A_29, %mul3A_2] : memref<26x16384xi32, #tpu.memory_space<hbm>> -> memref<26x512xi32, #tpu.memory_space<hbm>>
      tpu.wait_dma2 semaphore(%run_scoped3A : memref<!tpu.dma_semaphore, #tpu.memory_space<semaphore_mem>>) src(%dma_wait3A_30 : memref<26x512xi32, #tpu.memory_space<hbm>>) dst(%arg6 : memref<26x512xi32, #tpu.memory_space<vmem>>)
      tpu.yield
    }) : () -> ()
    "tpu.region"() ({
      %run_scoped3A = tpu.sem_alloc : memref<!tpu.dma_semaphore, #tpu.memory_space<semaphore_mem>>
      tpu.enqueue_dma source(%arg4 : memref<16xf32, #tpu.memory_space<hbm>>) target(%arg9 : memref<16xf32, #tpu.memory_space<vmem>>) target_semaphore(%run_scoped3A : memref<!tpu.dma_semaphore, #tpu.memory_space<semaphore_mem>>)
      tpu.wait_dma2 semaphore(%run_scoped3A : memref<!tpu.dma_semaphore, #tpu.memory_space<semaphore_mem>>) src(%arg4 : memref<16xf32, #tpu.memory_space<hbm>>) dst(%arg9 : memref<16xf32, #tpu.memory_space<vmem>>)
      tpu.yield
    }) : () -> ()
    %scan3A = arith.constant 0 : i32
    %scan3A_3 = arith.constant 0 : i32
    %scan3A_4 = arith.constant 26 : i32
    %scan3A_5 = arith.addi %scan3A_3, %scan3A_4 : i32
    %scan3A_6 = arith.constant 1 : i32
    %scan3A_7 = scf.for %scan3A_25 = %scan3A_3 to %scan3A_5 step %scan3A_6 iter_args(%scan3A_26 = %scan3A) -> (i32)  : i32 {
      %mul3A_27 = arith.constant 100000 : i32
      %mul3A_28 = arith.muli %scan3A_25, %mul3A_27 : i32
      %get3A_29 = arith.index_cast %scan3A_25 : i32 to index
      %get3A_30 = arith.constant 0 : index
      %get3A_31 = tpu.vector_load %arg6[%get3A_29, %get3A_30] {strides = array<i32>} : memref<26x512xi32, #tpu.memory_space<vmem>>, vector<1x16xi32>,
      %get3A_32 = vector.shape_cast %get3A_31 : vector<1x16xi32> to vector<16xi32>
      %add3A_33 = vector.broadcast %mul3A_28 : i32 to vector<16xi32>
      %add3A_34 = arith.addi %get3A_32, %add3A_33 : vector<16xi32>
      %swap3A = arith.index_cast %scan3A_25 : i32 to index
      %swap3A_35 = arith.constant 0 : index
      %swap3A_36 = tpu.vector_load %arg6[%swap3A, %swap3A_35] {strides = array<i32>} : memref<26x512xi32, #tpu.memory_space<vmem>>, vector<1x16xi32>,
      %swap3A_37 = vector.shape_cast %swap3A_36 : vector<1x16xi32> to vector<16xi32>
      %swap3A_38 = vector.shape_cast %add3A_34 : vector<16xi32> to vector<1x16xi32>
      tpu.vector_store %arg6[%swap3A, %swap3A_35], %swap3A_38 {strides = array<i32>} : memref<26x512xi32, #tpu.memory_space<vmem>>, vector<1x16xi32>,
      %get3A_39 = arith.index_cast %scan3A_25 : i32 to index
      %get3A_40 = arith.constant 16 : index
      %get3A_41 = tpu.vector_load %arg6[%get3A_39, %get3A_40] {strides = array<i32>} : memref<26x512xi32, #tpu.memory_space<vmem>>, vector<1x16xi32>,
      %get3A_42 = vector.shape_cast %get3A_41 : vector<1x16xi32> to vector<16xi32>
      %add3A_43 = vector.broadcast %mul3A_28 : i32 to vector<16xi32>
      %add3A_44 = arith.addi %get3A_42, %add3A_43 : vector<16xi32>
      %swap3A_45 = arith.index_cast %scan3A_25 : i32 to index
      %swap3A_46 = arith.constant 16 : index
      %swap3A_47 = tpu.vector_load %arg6[%swap3A_45, %swap3A_46] {strides = array<i32>} : memref<26x512xi32, #tpu.memory_space<vmem>>, vector<1x16xi32>,
      %swap3A_48 = vector.shape_cast %swap3A_47 : vector<1x16xi32> to vector<16xi32>
      %swap3A_49 = vector.shape_cast %add3A_44 : vector<16xi32> to vector<1x16xi32>
      tpu.vector_store %arg6[%swap3A_45, %swap3A_46], %swap3A_49 {strides = array<i32>} : memref<26x512xi32, #tpu.memory_space<vmem>>, vector<1x16xi32>,
      %get3A_50 = arith.index_cast %scan3A_25 : i32 to index
      %get3A_51 = arith.constant 32 : index
      %get3A_52 = tpu.vector_load %arg6[%get3A_50, %get3A_51] {strides = array<i32>} : memref<26x512xi32, #tpu.memory_space<vmem>>, vector<1x16xi32>,
      %get3A_53 = vector.shape_cast %get3A_52 : vector<1x16xi32> to vector<16xi32>
      %add3A_54 = vector.broadcast %mul3A_28 : i32 to vector<16xi32>
      %add3A_55 = arith.addi %get3A_53, %add3A_54 : vector<16xi32>
      %swap3A_56 = arith.index_cast %scan3A_25 : i32 to index
      %swap3A_57 = arith.constant 32 : index
      %swap3A_58 = tpu.vector_load %arg6[%swap3A_56, %swap3A_57] {strides = array<i32>} : memref<26x512xi32, #tpu.memory_space<vmem>>, vector<1x16xi32>,
      %swap3A_59 = vector.shape_cast %swap3A_58 : vector<1x16xi32> to vector<16xi32>
      %swap3A_60 = vector.shape_cast %add3A_55 : vector<16xi32> to vector<1x16xi32>
      tpu.vector_store %arg6[%swap3A_56, %swap3A_57], %swap3A_60 {strides = array<i32>} : memref<26x512xi32, #tpu.memory_space<vmem>>, vector<1x16xi32>,
      %get3A_61 = arith.index_cast %scan3A_25 : i32 to index
      %get3A_62 = arith.constant 48 : index
      %get3A_63 = tpu.vector_load %arg6[%get3A_61, %get3A_62] {strides = array<i32>} : memref<26x512xi32, #tpu.memory_space<vmem>>, vector<1x16xi32>,
      %get3A_64 = vector.shape_cast %get3A_63 : vector<1x16xi32> to vector<16xi32>
      %add3A_65 = vector.broadcast %mul3A_28 : i32 to vector<16xi32>
      %add3A_66 = arith.addi %get3A_64, %add3A_65 : vector<16xi32>
      %swap3A_67 = arith.index_cast %scan3A_25 : i32 to index
      %swap3A_68 = arith.constant 48 : index
      %swap3A_69 = tpu.vector_load %arg6[%swap3A_67, %swap3A_68] {strides = array<i32>} : memref<26x512xi32, #tpu.memory_space<vmem>>, vector<1x16xi32>,
      %swap3A_70 = vector.shape_cast %swap3A_69 : vector<1x16xi32> to vector<16xi32>
      %swap3A_71 = vector.shape_cast %add3A_66 : vector<16xi32> to vector<1x16xi32>
      tpu.vector_store %arg6[%swap3A_67, %swap3A_68], %swap3A_71 {strides = array<i32>} : memref<26x512xi32, #tpu.memory_space<vmem>>, vector<1x16xi32>,
      %get3A_72 = arith.index_cast %scan3A_25 : i32 to index
      %get3A_73 = arith.constant 64 : index
      %get3A_74 = tpu.vector_load %arg6[%get3A_72, %get3A_73] {strides = array<i32>} : memref<26x512xi32, #tpu.memory_space<vmem>>, vector<1x16xi32>,
      %get3A_75 = vector.shape_cast %get3A_74 : vector<1x16xi32> to vector<16xi32>
      %add3A_76 = vector.broadcast %mul3A_28 : i32 to vector<16xi32>
      %add3A_77 = arith.addi %get3A_75, %add3A_76 : vector<16xi32>
      %swap3A_78 = arith.index_cast %scan3A_25 : i32 to index
      %swap3A_79 = arith.constant 64 : index
      %swap3A_80 = tpu.vector_load %arg6[%swap3A_78, %swap3A_79] {strides = array<i32>} : memref<26x512xi32, #tpu.memory_space<vmem>>, vector<1x16xi32>,
      %swap3A_81 = vector.shape_cast %swap3A_80 : vector<1x16xi32> to vector<16xi32>
      %swap3A_82 = vector.shape_cast %add3A_77 : vector<16xi32> to vector<1x16xi32>
      tpu.vector_store %arg6[%swap3A_78, %swap3A_79], %swap3A_82 {strides = array<i32>} : memref<26x512xi32, #tpu.memory_space<vmem>>, vector<1x16xi32>,
      %get3A_83 = arith.index_cast %scan3A_25 : i32 to index
      %get3A_84 = arith.constant 80 : index
      %get3A_85 = tpu.vector_load %arg6[%get3A_83, %get3A_84] {strides = array<i32>} : memref<26x512xi32, #tpu.memory_space<vmem>>, vector<1x16xi32>,
      %get3A_86 = vector.shape_cast %get3A_85 : vector<1x16xi32> to vector<16xi32>
      %add3A_87 = vector.broadcast %mul3A_28 : i32 to vector<16xi32>
      %add3A_88 = arith.addi %get3A_86, %add3A_87 : vector<16xi32>
      %swap3A_89 = arith.index_cast %scan3A_25 : i32 to index
      %swap3A_90 = arith.constant 80 : index
      %swap3A_91 = tpu.vector_load %arg6[%swap3A_89, %swap3A_90] {strides = array<i32>} : memref<26x512xi32, #tpu.memory_space<vmem>>, vector<1x16xi32>,
      %swap3A_92 = vector.shape_cast %swap3A_91 : vector<1x16xi32> to vector<16xi32>
      %swap3A_93 = vector.shape_cast %add3A_88 : vector<16xi32> to vector<1x16xi32>
      tpu.vector_store %arg6[%swap3A_89, %swap3A_90], %swap3A_93 {strides = array<i32>} : memref<26x512xi32, #tpu.memory_space<vmem>>, vector<1x16xi32>,
      %get3A_94 = arith.index_cast %scan3A_25 : i32 to index
      %get3A_95 = arith.constant 96 : index
      %get3A_96 = tpu.vector_load %arg6[%get3A_94, %get3A_95] {strides = array<i32>} : memref<26x512xi32, #tpu.memory_space<vmem>>, vector<1x16xi32>,
      %get3A_97 = vector.shape_cast %get3A_96 : vector<1x16xi32> to vector<16xi32>
      %add3A_98 = vector.broadcast %mul3A_28 : i32 to vector<16xi32>
      %add3A_99 = arith.addi %get3A_97, %add3A_98 : vector<16xi32>
      %swap3A_100 = arith.index_cast %scan3A_25 : i32 to index
      %swap3A_101 = arith.constant 96 : index
      %swap3A_102 = tpu.vector_load %arg6[%swap3A_100, %swap3A_101] {strides = array<i32>} : memref<26x512xi32, #tpu.memory_space<vmem>>, vector<1x16xi32>,
      %swap3A_103 = vector.shape_cast %swap3A_102 : vector<1x16xi32> to vector<16xi32>
      %swap3A_104 = vector.shape_cast %add3A_99 : vector<16xi32> to vector<1x16xi32>
      tpu.vector_store %arg6[%swap3A_100, %swap3A_101], %swap3A_104 {strides = array<i32>} : memref<26x512xi32, #tpu.memory_space<vmem>>, vector<1x16xi32>,
      %get3A_105 = arith.index_cast %scan3A_25 : i32 to index
      %get3A_106 = arith.constant 112 : index
      %get3A_107 = tpu.vector_load %arg6[%get3A_105, %get3A_106] {strides = array<i32>} : memref<26x512xi32, #tpu.memory_space<vmem>>, vector<1x16xi32>,
      %get3A_108 = vector.shape_cast %get3A_107 : vector<1x16xi32> to vector<16xi32>
      %add3A_109 = vector.broadcast %mul3A_28 : i32 to vector<16xi32>
      %add3A_110 = arith.addi %get3A_108, %add3A_109 : vector<16xi32>
      %swap3A_111 = arith.index_cast %scan3A_25 : i32 to index
      %swap3A_112 = arith.constant 112 : index
      %swap3A_113 = tpu.vector_load %arg6[%swap3A_111, %swap3A_112] {strides = array<i32>} : memref<26x512xi32, #tpu.memory_space<vmem>>, vector<1x16xi32>,
      %swap3A_114 = vector.shape_cast %swap3A_113 : vector<1x16xi32> to vector<16xi32>
      %swap3A_115 = vector.shape_cast %add3A_110 : vector<16xi32> to vector<1x16xi32>
      tpu.vector_store %arg6[%swap3A_111, %swap3A_112], %swap3A_115 {strides = array<i32>} : memref<26x512xi32, #tpu.memory_space<vmem>>, vector<1x16xi32>,
      %get3A_116 = arith.index_cast %scan3A_25 : i32 to index
      %get3A_117 = arith.constant 128 : index
      %get3A_118 = tpu.vector_load %arg6[%get3A_116, %get3A_117] {strides = array<i32>} : memref<26x512xi32, #tpu.memory_space<vmem>>, vector<1x16xi32>,
      %get3A_119 = vector.shape_cast %get3A_118 : vector<1x16xi32> to vector<16xi32>
      %add3A_120 = vector.broadcast %mul3A_28 : i32 to vector<16xi32>
      %add3A_121 = arith.addi %get3A_119, %add3A_120 : vector<16xi32>
      %swap3A_122 = arith.index_cast %scan3A_25 : i32 to index
      %swap3A_123 = arith.constant 128 : index
      %swap3A_124 = tpu.vector_load %arg6[%swap3A_122, %swap3A_123] {strides = array<i32>} : memref<26x512xi32, #tpu.memory_space<vmem>>, vector<1x16xi32>,
      %swap3A_125 = vector.shape_cast %swap3A_124 : vector<1x16xi32> to vector<16xi32>
      %swap3A_126 = vector.shape_cast %add3A_121 : vector<16xi32> to vector<1x16xi32>
      tpu.vector_store %arg6[%swap3A_122, %swap3A_123], %swap3A_126 {strides = array<i32>} : memref<26x512xi32, #tpu.memory_space<vmem>>, vector<1x16xi32>,
      %get3A_127 = arith.index_cast %scan3A_25 : i32 to index
      %get3A_128 = arith.constant 144 : index
      %get3A_129 = tpu.vector_load %arg6[%get3A_127, %get3A_128] {strides = array<i32>} : memref<26x512xi32, #tpu.memory_space<vmem>>, vector<1x16xi32>,
      %get3A_130 = vector.shape_cast %get3A_129 : vector<1x16xi32> to vector<16xi32>
      %add3A_131 = vector.broadcast %mul3A_28 : i32 to vector<16xi32>
      %add3A_132 = arith.addi %get3A_130, %add3A_131 : vector<16xi32>
      %swap3A_133 = arith.index_cast %scan3A_25 : i32 to index
      %swap3A_134 = arith.constant 144 : index
      %swap3A_135 = tpu.vector_load %arg6[%swap3A_133, %swap3A_134] {strides = array<i32>} : memref<26x512xi32, #tpu.memory_space<vmem>>, vector<1x16xi32>,
      %swap3A_136 = vector.shape_cast %swap3A_135 : vector<1x16xi32> to vector<16xi32>
      %swap3A_137 = vector.shape_cast %add3A_132 : vector<16xi32> to vector<1x16xi32>
      tpu.vector_store %arg6[%swap3A_133, %swap3A_134], %swap3A_137 {strides = array<i32>} : memref<26x512xi32, #tpu.memory_space<vmem>>, vector<1x16xi32>,
      %get3A_138 = arith.index_cast %scan3A_25 : i32 to index
      %get3A_139 = arith.constant 160 : index
      %get3A_140 = tpu.vector_load %arg6[%get3A_138, %get3A_139] {strides = array<i32>} : memref<26x512xi32, #tpu.memory_space<vmem>>, vector<1x16xi32>,
      %get3A_141 = vector.shape_cast %get3A_140 : vector<1x16xi32> to vector<16xi32>
      %add3A_142 = vector.broadcast %mul3A_28 : i32 to vector<16xi32>
      %add3A_143 = arith.addi %get3A_141, %add3A_142 : vector<16xi32>
      %swap3A_144 = arith.index_cast %scan3A_25 : i32 to index
      %swap3A_145 = arith.constant 160 : index
      %swap3A_146 = tpu.vector_load %arg6[%swap3A_144, %swap3A_145] {strides = array<i32>} : memref<26x512xi32, #tpu.memory_space<vmem>>, vector<1x16xi32>,
      %swap3A_147 = vector.shape_cast %swap3A_146 : vector<1x16xi32> to vector<16xi32>
      %swap3A_148 = vector.shape_cast %add3A_143 : vector<16xi32> to vector<1x16xi32>
      tpu.vector_store %arg6[%swap3A_144, %swap3A_145], %swap3A_148 {strides = array<i32>} : memref<26x512xi32, #tpu.memory_space<vmem>>, vector<1x16xi32>,
      %get3A_149 = arith.index_cast %scan3A_25 : i32 to index
      %get3A_150 = arith.constant 176 : index
      %get3A_151 = tpu.vector_load %arg6[%get3A_149, %get3A_150] {strides = array<i32>} : memref<26x512xi32, #tpu.memory_space<vmem>>, vector<1x16xi32>,
      %get3A_152 = vector.shape_cast %get3A_151 : vector<1x16xi32> to vector<16xi32>
      %add3A_153 = vector.broadcast %mul3A_28 : i32 to vector<16xi32>
      %add3A_154 = arith.addi %get3A_152, %add3A_153 : vector<16xi32>
      %swap3A_155 = arith.index_cast %scan3A_25 : i32 to index
      %swap3A_156 = arith.constant 176 : index
      %swap3A_157 = tpu.vector_load %arg6[%swap3A_155, %swap3A_156] {strides = array<i32>} : memref<26x512xi32, #tpu.memory_space<vmem>>, vector<1x16xi32>,
      %swap3A_158 = vector.shape_cast %swap3A_157 : vector<1x16xi32> to vector<16xi32>
      %swap3A_159 = vector.shape_cast %add3A_154 : vector<16xi32> to vector<1x16xi32>
      tpu.vector_store %arg6[%swap3A_155, %swap3A_156], %swap3A_159 {strides = array<i32>} : memref<26x512xi32, #tpu.memory_space<vmem>>, vector<1x16xi32>,
      %get3A_160 = arith.index_cast %scan3A_25 : i32 to index
      %get3A_161 = arith.constant 192 : index
      %get3A_162 = tpu.vector_load %arg6[%get3A_160, %get3A_161] {strides = array<i32>} : memref<26x512xi32, #tpu.memory_space<vmem>>, vector<1x16xi32>,
      %get3A_163 = vector.shape_cast %get3A_162 : vector<1x16xi32> to vector<16xi32>
      %add3A_164 = vector.broadcast %mul3A_28 : i32 to vector<16xi32>
      %add3A_165 = arith.addi %get3A_163, %add3A_164 : vector<16xi32>
      %swap3A_166 = arith.index_cast %scan3A_25 : i32 to index
      %swap3A_167 = arith.constant 192 : index
      %swap3A_168 = tpu.vector_load %arg6[%swap3A_166, %swap3A_167] {strides = array<i32>} : memref<26x512xi32, #tpu.memory_space<vmem>>, vector<1x16xi32>,
      %swap3A_169 = vector.shape_cast %swap3A_168 : vector<1x16xi32> to vector<16xi32>
      %swap3A_170 = vector.shape_cast %add3A_165 : vector<16xi32> to vector<1x16xi32>
      tpu.vector_store %arg6[%swap3A_166, %swap3A_167], %swap3A_170 {strides = array<i32>} : memref<26x512xi32, #tpu.memory_space<vmem>>, vector<1x16xi32>,
      %get3A_171 = arith.index_cast %scan3A_25 : i32 to index
      %get3A_172 = arith.constant 208 : index
      %get3A_173 = tpu.vector_load %arg6[%get3A_171, %get3A_172] {strides = array<i32>} : memref<26x512xi32, #tpu.memory_space<vmem>>, vector<1x16xi32>,
      %get3A_174 = vector.shape_cast %get3A_173 : vector<1x16xi32> to vector<16xi32>
      %add3A_175 = vector.broadcast %mul3A_28 : i32 to vector<16xi32>
      %add3A_176 = arith.addi %get3A_174, %add3A_175 : vector<16xi32>
      %swap3A_177 = arith.index_cast %scan3A_25 : i32 to index
      %swap3A_178 = arith.constant 208 : index
      %swap3A_179 = tpu.vector_load %arg6[%swap3A_177, %swap3A_178] {strides = array<i32>} : memref<26x512xi32, #tpu.memory_space<vmem>>, vector<1x16xi32>,
      %swap3A_180 = vector.shape_cast %swap3A_179 : vector<1x16xi32> to vector<16xi32>
      %swap3A_181 = vector.shape_cast %add3A_176 : vector<16xi32> to vector<1x16xi32>
      tpu.vector_store %arg6[%swap3A_177, %swap3A_178], %swap3A_181 {strides = array<i32>} : memref<26x512xi32, #tpu.memory_space<vmem>>, vector<1x16xi32>,
      %get3A_182 = arith.index_cast %scan3A_25 : i32 to index
      %get3A_183 = arith.constant 224 : index
      %get3A_184 = tpu.vector_load %arg6[%get3A_182, %get3A_183] {strides = array<i32>} : memref<26x512xi32, #tpu.memory_space<vmem>>, vector<1x16xi32>,
      %get3A_185 = vector.shape_cast %get3A_184 : vector<1x16xi32> to vector<16xi32>
      %add3A_186 = vector.broadcast %mul3A_28 : i32 to vector<16xi32>
      %add3A_187 = arith.addi %get3A_185, %add3A_186 : vector<16xi32>
      %swap3A_188 = arith.index_cast %scan3A_25 : i32 to index
      %swap3A_189 = arith.constant 224 : index
      %swap3A_190 = tpu.vector_load %arg6[%swap3A_188, %swap3A_189] {strides = array<i32>} : memref<26x512xi32, #tpu.memory_space<vmem>>, vector<1x16xi32>,
      %swap3A_191 = vector.shape_cast %swap3A_190 : vector<1x16xi32> to vector<16xi32>
      %swap3A_192 = vector.shape_cast %add3A_187 : vector<16xi32> to vector<1x16xi32>
      tpu.vector_store %arg6[%swap3A_188, %swap3A_189], %swap3A_192 {strides = array<i32>} : memref<26x512xi32, #tpu.memory_space<vmem>>, vector<1x16xi32>,
      %get3A_193 = arith.index_cast %scan3A_25 : i32 to index
      %get3A_194 = arith.constant 240 : index
      %get3A_195 = tpu.vector_load %arg6[%get3A_193, %get3A_194] {strides = array<i32>} : memref<26x512xi32, #tpu.memory_space<vmem>>, vector<1x16xi32>,
      %get3A_196 = vector.shape_cast %get3A_195 : vector<1x16xi32> to vector<16xi32>
      %add3A_197 = vector.broadcast %mul3A_28 : i32 to vector<16xi32>
      %add3A_198 = arith.addi %get3A_196, %add3A_197 : vector<16xi32>
      %swap3A_199 = arith.index_cast %scan3A_25 : i32 to index
      %swap3A_200 = arith.constant 240 : index
      %swap3A_201 = tpu.vector_load %arg6[%swap3A_199, %swap3A_200] {strides = array<i32>} : memref<26x512xi32, #tpu.memory_space<vmem>>, vector<1x16xi32>,
      %swap3A_202 = vector.shape_cast %swap3A_201 : vector<1x16xi32> to vector<16xi32>
      %swap3A_203 = vector.shape_cast %add3A_198 : vector<16xi32> to vector<1x16xi32>
      tpu.vector_store %arg6[%swap3A_199, %swap3A_200], %swap3A_203 {strides = array<i32>} : memref<26x512xi32, #tpu.memory_space<vmem>>, vector<1x16xi32>,
      %get3A_204 = arith.index_cast %scan3A_25 : i32 to index
      %get3A_205 = arith.constant 256 : index
      %get3A_206 = tpu.vector_load %arg6[%get3A_204, %get3A_205] {strides = array<i32>} : memref<26x512xi32, #tpu.memory_space<vmem>>, vector<1x16xi32>,
      %get3A_207 = vector.shape_cast %get3A_206 : vector<1x16xi32> to vector<16xi32>
      %add3A_208 = vector.broadcast %mul3A_28 : i32 to vector<16xi32>
      %add3A_209 = arith.addi %get3A_207, %add3A_208 : vector<16xi32>
      %swap3A_210 = arith.index_cast %scan3A_25 : i32 to index
      %swap3A_211 = arith.constant 256 : index
      %swap3A_212 = tpu.vector_load %arg6[%swap3A_210, %swap3A_211] {strides = array<i32>} : memref<26x512xi32, #tpu.memory_space<vmem>>, vector<1x16xi32>,
      %swap3A_213 = vector.shape_cast %swap3A_212 : vector<1x16xi32> to vector<16xi32>
      %swap3A_214 = vector.shape_cast %add3A_209 : vector<16xi32> to vector<1x16xi32>
      tpu.vector_store %arg6[%swap3A_210, %swap3A_211], %swap3A_214 {strides = array<i32>} : memref<26x512xi32, #tpu.memory_space<vmem>>, vector<1x16xi32>,
      %get3A_215 = arith.index_cast %scan3A_25 : i32 to index
      %get3A_216 = arith.constant 272 : index
      %get3A_217 = tpu.vector_load %arg6[%get3A_215, %get3A_216] {strides = array<i32>} : memref<26x512xi32, #tpu.memory_space<vmem>>, vector<1x16xi32>,
      %get3A_218 = vector.shape_cast %get3A_217 : vector<1x16xi32> to vector<16xi32>
      %add3A_219 = vector.broadcast %mul3A_28 : i32 to vector<16xi32>
      %add3A_220 = arith.addi %get3A_218, %add3A_219 : vector<16xi32>
      %swap3A_221 = arith.index_cast %scan3A_25 : i32 to index
      %swap3A_222 = arith.constant 272 : index
      %swap3A_223 = tpu.vector_load %arg6[%swap3A_221, %swap3A_222] {strides = array<i32>} : memref<26x512xi32, #tpu.memory_space<vmem>>, vector<1x16xi32>,
      %swap3A_224 = vector.shape_cast %swap3A_223 : vector<1x16xi32> to vector<16xi32>
      %swap3A_225 = vector.shape_cast %add3A_220 : vector<16xi32> to vector<1x16xi32>
      tpu.vector_store %arg6[%swap3A_221, %swap3A_222], %swap3A_225 {strides = array<i32>} : memref<26x512xi32, #tpu.memory_space<vmem>>, vector<1x16xi32>,
      %get3A_226 = arith.index_cast %scan3A_25 : i32 to index
      %get3A_227 = arith.constant 288 : index
      %get3A_228 = tpu.vector_load %arg6[%get3A_226, %get3A_227] {strides = array<i32>} : memref<26x512xi32, #tpu.memory_space<vmem>>, vector<1x16xi32>,
      %get3A_229 = vector.shape_cast %get3A_228 : vector<1x16xi32> to vector<16xi32>
      %add3A_230 = vector.broadcast %mul3A_28 : i32 to vector<16xi32>
      %add3A_231 = arith.addi %get3A_229, %add3A_230 : vector<16xi32>
      %swap3A_232 = arith.index_cast %scan3A_25 : i32 to index
      %swap3A_233 = arith.constant 288 : index
      %swap3A_234 = tpu.vector_load %arg6[%swap3A_232, %swap3A_233] {strides = array<i32>} : memref<26x512xi32, #tpu.memory_space<vmem>>, vector<1x16xi32>,
      %swap3A_235 = vector.shape_cast %swap3A_234 : vector<1x16xi32> to vector<16xi32>
      %swap3A_236 = vector.shape_cast %add3A_231 : vector<16xi32> to vector<1x16xi32>
      tpu.vector_store %arg6[%swap3A_232, %swap3A_233], %swap3A_236 {strides = array<i32>} : memref<26x512xi32, #tpu.memory_space<vmem>>, vector<1x16xi32>,
      %get3A_237 = arith.index_cast %scan3A_25 : i32 to index
      %get3A_238 = arith.constant 304 : index
      %get3A_239 = tpu.vector_load %arg6[%get3A_237, %get3A_238] {strides = array<i32>} : memref<26x512xi32, #tpu.memory_space<vmem>>, vector<1x16xi32>,
      %get3A_240 = vector.shape_cast %get3A_239 : vector<1x16xi32> to vector<16xi32>
      %add3A_241 = vector.broadcast %mul3A_28 : i32 to vector<16xi32>
      %add3A_242 = arith.addi %get3A_240, %add3A_241 : vector<16xi32>
      %swap3A_243 = arith.index_cast %scan3A_25 : i32 to index
      %swap3A_244 = arith.constant 304 : index
      %swap3A_245 = tpu.vector_load %arg6[%swap3A_243, %swap3A_244] {strides = array<i32>} : memref<26x512xi32, #tpu.memory_space<vmem>>, vector<1x16xi32>,
      %swap3A_246 = vector.shape_cast %swap3A_245 : vector<1x16xi32> to vector<16xi32>
      %swap3A_247 = vector.shape_cast %add3A_242 : vector<16xi32> to vector<1x16xi32>
      tpu.vector_store %arg6[%swap3A_243, %swap3A_244], %swap3A_247 {strides = array<i32>} : memref<26x512xi32, #tpu.memory_space<vmem>>, vector<1x16xi32>,
      %get3A_248 = arith.index_cast %scan3A_25 : i32 to index
      %get3A_249 = arith.constant 320 : index
      %get3A_250 = tpu.vector_load %arg6[%get3A_248, %get3A_249] {strides = array<i32>} : memref<26x512xi32, #tpu.memory_space<vmem>>, vector<1x16xi32>,
      %get3A_251 = vector.shape_cast %get3A_250 : vector<1x16xi32> to vector<16xi32>
      %add3A_252 = vector.broadcast %mul3A_28 : i32 to vector<16xi32>
      %add3A_253 = arith.addi %get3A_251, %add3A_252 : vector<16xi32>
      %swap3A_254 = arith.index_cast %scan3A_25 : i32 to index
      %swap3A_255 = arith.constant 320 : index
      %swap3A_256 = tpu.vector_load %arg6[%swap3A_254, %swap3A_255] {strides = array<i32>} : memref<26x512xi32, #tpu.memory_space<vmem>>, vector<1x16xi32>,
      %swap3A_257 = vector.shape_cast %swap3A_256 : vector<1x16xi32> to vector<16xi32>
      %swap3A_258 = vector.shape_cast %add3A_253 : vector<16xi32> to vector<1x16xi32>
      tpu.vector_store %arg6[%swap3A_254, %swap3A_255], %swap3A_258 {strides = array<i32>} : memref<26x512xi32, #tpu.memory_space<vmem>>, vector<1x16xi32>,
      %get3A_259 = arith.index_cast %scan3A_25 : i32 to index
      %get3A_260 = arith.constant 336 : index
      %get3A_261 = tpu.vector_load %arg6[%get3A_259, %get3A_260] {strides = array<i32>} : memref<26x512xi32, #tpu.memory_space<vmem>>, vector<1x16xi32>,
      %get3A_262 = vector.shape_cast %get3A_261 : vector<1x16xi32> to vector<16xi32>
      %add3A_263 = vector.broadcast %mul3A_28 : i32 to vector<16xi32>
      %add3A_264 = arith.addi %get3A_262, %add3A_263 : vector<16xi32>
      %swap3A_265 = arith.index_cast %scan3A_25 : i32 to index
      %swap3A_266 = arith.constant 336 : index
      %swap3A_267 = tpu.vector_load %arg6[%swap3A_265, %swap3A_266] {strides = array<i32>} : memref<26x512xi32, #tpu.memory_space<vmem>>, vector<1x16xi32>,
      %swap3A_268 = vector.shape_cast %swap3A_267 : vector<1x16xi32> to vector<16xi32>
      %swap3A_269 = vector.shape_cast %add3A_264 : vector<16xi32> to vector<1x16xi32>
      tpu.vector_store %arg6[%swap3A_265, %swap3A_266], %swap3A_269 {strides = array<i32>} : memref<26x512xi32, #tpu.memory_space<vmem>>, vector<1x16xi32>,
      %get3A_270 = arith.index_cast %scan3A_25 : i32 to index
      %get3A_271 = arith.constant 352 : index
      %get3A_272 = tpu.vector_load %arg6[%get3A_270, %get3A_271] {strides = array<i32>} : memref<26x512xi32, #tpu.memory_space<vmem>>, vector<1x16xi32>,
      %get3A_273 = vector.shape_cast %get3A_272 : vector<1x16xi32> to vector<16xi32>
      %add3A_274 = vector.broadcast %mul3A_28 : i32 to vector<16xi32>
      %add3A_275 = arith.addi %get3A_273, %add3A_274 : vector<16xi32>
      %swap3A_276 = arith.index_cast %scan3A_25 : i32 to index
      %swap3A_277 = arith.constant 352 : index
      %swap3A_278 = tpu.vector_load %arg6[%swap3A_276, %swap3A_277] {strides = array<i32>} : memref<26x512xi32, #tpu.memory_space<vmem>>, vector<1x16xi32>,
      %swap3A_279 = vector.shape_cast %swap3A_278 : vector<1x16xi32> to vector<16xi32>
      %swap3A_280 = vector.shape_cast %add3A_275 : vector<16xi32> to vector<1x16xi32>
      tpu.vector_store %arg6[%swap3A_276, %swap3A_277], %swap3A_280 {strides = array<i32>} : memref<26x512xi32, #tpu.memory_space<vmem>>, vector<1x16xi32>,
      %get3A_281 = arith.index_cast %scan3A_25 : i32 to index
      %get3A_282 = arith.constant 368 : index
      %get3A_283 = tpu.vector_load %arg6[%get3A_281, %get3A_282] {strides = array<i32>} : memref<26x512xi32, #tpu.memory_space<vmem>>, vector<1x16xi32>,
      %get3A_284 = vector.shape_cast %get3A_283 : vector<1x16xi32> to vector<16xi32>
      %add3A_285 = vector.broadcast %mul3A_28 : i32 to vector<16xi32>
      %add3A_286 = arith.addi %get3A_284, %add3A_285 : vector<16xi32>
      %swap3A_287 = arith.index_cast %scan3A_25 : i32 to index
      %swap3A_288 = arith.constant 368 : index
      %swap3A_289 = tpu.vector_load %arg6[%swap3A_287, %swap3A_288] {strides = array<i32>} : memref<26x512xi32, #tpu.memory_space<vmem>>, vector<1x16xi32>,
      %swap3A_290 = vector.shape_cast %swap3A_289 : vector<1x16xi32> to vector<16xi32>
      %swap3A_291 = vector.shape_cast %add3A_286 : vector<16xi32> to vector<1x16xi32>
      tpu.vector_store %arg6[%swap3A_287, %swap3A_288], %swap3A_291 {strides = array<i32>} : memref<26x512xi32, #tpu.memory_space<vmem>>, vector<1x16xi32>,
      %get3A_292 = arith.index_cast %scan3A_25 : i32 to index
      %get3A_293 = arith.constant 384 : index
      %get3A_294 = tpu.vector_load %arg6[%get3A_292, %get3A_293] {strides = array<i32>} : memref<26x512xi32, #tpu.memory_space<vmem>>, vector<1x16xi32>,
      %get3A_295 = vector.shape_cast %get3A_294 : vector<1x16xi32> to vector<16xi32>
      %add3A_296 = vector.broadcast %mul3A_28 : i32 to vector<16xi32>
      %add3A_297 = arith.addi %get3A_295, %add3A_296 : vector<16xi32>
      %swap3A_298 = arith.index_cast %scan3A_25 : i32 to index
      %swap3A_299 = arith.constant 384 : index
      %swap3A_300 = tpu.vector_load %arg6[%swap3A_298, %swap3A_299] {strides = array<i32>} : memref<26x512xi32, #tpu.memory_space<vmem>>, vector<1x16xi32>,
      %swap3A_301 = vector.shape_cast %swap3A_300 : vector<1x16xi32> to vector<16xi32>
      %swap3A_302 = vector.shape_cast %add3A_297 : vector<16xi32> to vector<1x16xi32>
      tpu.vector_store %arg6[%swap3A_298, %swap3A_299], %swap3A_302 {strides = array<i32>} : memref<26x512xi32, #tpu.memory_space<vmem>>, vector<1x16xi32>,
      %get3A_303 = arith.index_cast %scan3A_25 : i32 to index
      %get3A_304 = arith.constant 400 : index
      %get3A_305 = tpu.vector_load %arg6[%get3A_303, %get3A_304] {strides = array<i32>} : memref<26x512xi32, #tpu.memory_space<vmem>>, vector<1x16xi32>,
      %get3A_306 = vector.shape_cast %get3A_305 : vector<1x16xi32> to vector<16xi32>
      %add3A_307 = vector.broadcast %mul3A_28 : i32 to vector<16xi32>
      %add3A_308 = arith.addi %get3A_306, %add3A_307 : vector<16xi32>
      %swap3A_309 = arith.index_cast %scan3A_25 : i32 to index
      %swap3A_310 = arith.constant 400 : index
      %swap3A_311 = tpu.vector_load %arg6[%swap3A_309, %swap3A_310] {strides = array<i32>} : memref<26x512xi32, #tpu.memory_space<vmem>>, vector<1x16xi32>,
      %swap3A_312 = vector.shape_cast %swap3A_311 : vector<1x16xi32> to vector<16xi32>
      %swap3A_313 = vector.shape_cast %add3A_308 : vector<16xi32> to vector<1x16xi32>
      tpu.vector_store %arg6[%swap3A_309, %swap3A_310], %swap3A_313 {strides = array<i32>} : memref<26x512xi32, #tpu.memory_space<vmem>>, vector<1x16xi32>,
      %get3A_314 = arith.index_cast %scan3A_25 : i32 to index
      %get3A_315 = arith.constant 416 : index
      %get3A_316 = tpu.vector_load %arg6[%get3A_314, %get3A_315] {strides = array<i32>} : memref<26x512xi32, #tpu.memory_space<vmem>>, vector<1x16xi32>,
      %get3A_317 = vector.shape_cast %get3A_316 : vector<1x16xi32> to vector<16xi32>
      %add3A_318 = vector.broadcast %mul3A_28 : i32 to vector<16xi32>
      %add3A_319 = arith.addi %get3A_317, %add3A_318 : vector<16xi32>
      %swap3A_320 = arith.index_cast %scan3A_25 : i32 to index
      %swap3A_321 = arith.constant 416 : index
      %swap3A_322 = tpu.vector_load %arg6[%swap3A_320, %swap3A_321] {strides = array<i32>} : memref<26x512xi32, #tpu.memory_space<vmem>>, vector<1x16xi32>,
      %swap3A_323 = vector.shape_cast %swap3A_322 : vector<1x16xi32> to vector<16xi32>
      %swap3A_324 = vector.shape_cast %add3A_319 : vector<16xi32> to vector<1x16xi32>
      tpu.vector_store %arg6[%swap3A_320, %swap3A_321], %swap3A_324 {strides = array<i32>} : memref<26x512xi32, #tpu.memory_space<vmem>>, vector<1x16xi32>,
      %get3A_325 = arith.index_cast %scan3A_25 : i32 to index
      %get3A_326 = arith.constant 432 : index
      %get3A_327 = tpu.vector_load %arg6[%get3A_325, %get3A_326] {strides = array<i32>} : memref<26x512xi32, #tpu.memory_space<vmem>>, vector<1x16xi32>,
      %get3A_328 = vector.shape_cast %get3A_327 : vector<1x16xi32> to vector<16xi32>
      %add3A_329 = vector.broadcast %mul3A_28 : i32 to vector<16xi32>
      %add3A_330 = arith.addi %get3A_328, %add3A_329 : vector<16xi32>
      %swap3A_331 = arith.index_cast %scan3A_25 : i32 to index
      %swap3A_332 = arith.constant 432 : index
      %swap3A_333 = tpu.vector_load %arg6[%swap3A_331, %swap3A_332] {strides = array<i32>} : memref<26x512xi32, #tpu.memory_space<vmem>>, vector<1x16xi32>,
      %swap3A_334 = vector.shape_cast %swap3A_333 : vector<1x16xi32> to vector<16xi32>
      %swap3A_335 = vector.shape_cast %add3A_330 : vector<16xi32> to vector<1x16xi32>
      tpu.vector_store %arg6[%swap3A_331, %swap3A_332], %swap3A_335 {strides = array<i32>} : memref<26x512xi32, #tpu.memory_space<vmem>>, vector<1x16xi32>,
      %get3A_336 = arith.index_cast %scan3A_25 : i32 to index
      %get3A_337 = arith.constant 448 : index
      %get3A_338 = tpu.vector_load %arg6[%get3A_336, %get3A_337] {strides = array<i32>} : memref<26x512xi32, #tpu.memory_space<vmem>>, vector<1x16xi32>,
      %get3A_339 = vector.shape_cast %get3A_338 : vector<1x16xi32> to vector<16xi32>
      %add3A_340 = vector.broadcast %mul3A_28 : i32 to vector<16xi32>
      %add3A_341 = arith.addi %get3A_339, %add3A_340 : vector<16xi32>
      %swap3A_342 = arith.index_cast %scan3A_25 : i32 to index
      %swap3A_343 = arith.constant 448 : index
      %swap3A_344 = tpu.vector_load %arg6[%swap3A_342, %swap3A_343] {strides = array<i32>} : memref<26x512xi32, #tpu.memory_space<vmem>>, vector<1x16xi32>,
      %swap3A_345 = vector.shape_cast %swap3A_344 : vector<1x16xi32> to vector<16xi32>
      %swap3A_346 = vector.shape_cast %add3A_341 : vector<16xi32> to vector<1x16xi32>
      tpu.vector_store %arg6[%swap3A_342, %swap3A_343], %swap3A_346 {strides = array<i32>} : memref<26x512xi32, #tpu.memory_space<vmem>>, vector<1x16xi32>,
      %get3A_347 = arith.index_cast %scan3A_25 : i32 to index
      %get3A_348 = arith.constant 464 : index
      %get3A_349 = tpu.vector_load %arg6[%get3A_347, %get3A_348] {strides = array<i32>} : memref<26x512xi32, #tpu.memory_space<vmem>>, vector<1x16xi32>,
      %get3A_350 = vector.shape_cast %get3A_349 : vector<1x16xi32> to vector<16xi32>
      %add3A_351 = vector.broadcast %mul3A_28 : i32 to vector<16xi32>
      %add3A_352 = arith.addi %get3A_350, %add3A_351 : vector<16xi32>
      %swap3A_353 = arith.index_cast %scan3A_25 : i32 to index
      %swap3A_354 = arith.constant 464 : index
      %swap3A_355 = tpu.vector_load %arg6[%swap3A_353, %swap3A_354] {strides = array<i32>} : memref<26x512xi32, #tpu.memory_space<vmem>>, vector<1x16xi32>,
      %swap3A_356 = vector.shape_cast %swap3A_355 : vector<1x16xi32> to vector<16xi32>
      %swap3A_357 = vector.shape_cast %add3A_352 : vector<16xi32> to vector<1x16xi32>
      tpu.vector_store %arg6[%swap3A_353, %swap3A_354], %swap3A_357 {strides = array<i32>} : memref<26x512xi32, #tpu.memory_space<vmem>>, vector<1x16xi32>,
      %get3A_358 = arith.index_cast %scan3A_25 : i32 to index
      %get3A_359 = arith.constant 480 : index
      %get3A_360 = tpu.vector_load %arg6[%get3A_358, %get3A_359] {strides = array<i32>} : memref<26x512xi32, #tpu.memory_space<vmem>>, vector<1x16xi32>,
      %get3A_361 = vector.shape_cast %get3A_360 : vector<1x16xi32> to vector<16xi32>
      %add3A_362 = vector.broadcast %mul3A_28 : i32 to vector<16xi32>
      %add3A_363 = arith.addi %get3A_361, %add3A_362 : vector<16xi32>
      %swap3A_364 = arith.index_cast %scan3A_25 : i32 to index
      %swap3A_365 = arith.constant 480 : index
      %swap3A_366 = tpu.vector_load %arg6[%swap3A_364, %swap3A_365] {strides = array<i32>} : memref<26x512xi32, #tpu.memory_space<vmem>>, vector<1x16xi32>,
      %swap3A_367 = vector.shape_cast %swap3A_366 : vector<1x16xi32> to vector<16xi32>
      %swap3A_368 = vector.shape_cast %add3A_363 : vector<16xi32> to vector<1x16xi32>
      tpu.vector_store %arg6[%swap3A_364, %swap3A_365], %swap3A_368 {strides = array<i32>} : memref<26x512xi32, #tpu.memory_space<vmem>>, vector<1x16xi32>,
      %get3A_369 = arith.index_cast %scan3A_25 : i32 to index
      %get3A_370 = arith.constant 496 : index
      %get3A_371 = tpu.vector_load %arg6[%get3A_369, %get3A_370] {strides = array<i32>} : memref<26x512xi32, #tpu.memory_space<vmem>>, vector<1x16xi32>,
      %get3A_372 = vector.shape_cast %get3A_371 : vector<1x16xi32> to vector<16xi32>
      %add3A_373 = vector.broadcast %mul3A_28 : i32 to vector<16xi32>
      %add3A_374 = arith.addi %get3A_372, %add3A_373 : vector<16xi32>
      %swap3A_375 = arith.index_cast %scan3A_25 : i32 to index
      %swap3A_376 = arith.constant 496 : index
      %swap3A_377 = tpu.vector_load %arg6[%swap3A_375, %swap3A_376] {strides = array<i32>} : memref<26x512xi32, #tpu.memory_space<vmem>>, vector<1x16xi32>,
      %swap3A_378 = vector.shape_cast %swap3A_377 : vector<1x16xi32> to vector<16xi32>
      %swap3A_379 = vector.shape_cast %add3A_374 : vector<16xi32> to vector<1x16xi32>
      tpu.vector_store %arg6[%swap3A_375, %swap3A_376], %swap3A_379 {strides = array<i32>} : memref<26x512xi32, #tpu.memory_space<vmem>>, vector<1x16xi32>,
      %dma_start3A = arith.constant 0 : i32
      %dma_start3A_380 = tpu.memref_slice %arg7[%scan3A_25, %dma_start3A] : memref<26x512xf32, #tpu.memory_space<vmem>> -> memref<1x128xf32, #tpu.memory_space<vmem>>
      %dma_start3A_381 = tpu.memref_squeeze %dma_start3A_380 : memref<1x128xf32, #tpu.memory_space<vmem>> -> memref<128xf32, #tpu.memory_space<vmem>>
      %dma_start3A_382 = arith.constant 0 : i32
      %dma_start3A_383 = tpu.memref_slice %arg6[%scan3A_25, %dma_start3A_382] : memref<26x512xi32, #tpu.memory_space<vmem>> -> memref<1x128xi32, #tpu.memory_space<vmem>>
      %dma_start3A_384 = tpu.memref_squeeze %dma_start3A_383 : memref<1x128xi32, #tpu.memory_space<vmem>> -> memref<128xi32, #tpu.memory_space<vmem>>
      %dma_start3A_385 = arith.constant 0 : i32
      %dma_start3A_386 = tpu.memref_slice %arg3[%dma_start3A_385] : memref<2600000xf32, #tpu.memory_space<hbm>> -> memref<2600000xf32, #tpu.memory_space<hbm>>
      tpu.enqueue_indirect_dma source(%dma_start3A_386 : memref<2600000xf32, #tpu.memory_space<hbm>>) target(%dma_start3A_381 : memref<128xf32, #tpu.memory_space<vmem>>) offsets(%dma_start3A_384 : memref<128xi32, #tpu.memory_space<vmem>>) semaphore(%arg10 : memref<!tpu.dma_semaphore, #tpu.memory_space<semaphore_mem>>)
      %dma_start3A_387 = arith.constant 128 : i32
      %dma_start3A_388 = tpu.memref_slice %arg7[%scan3A_25, %dma_start3A_387] : memref<26x512xf32, #tpu.memory_space<vmem>> -> memref<1x128xf32, #tpu.memory_space<vmem>>
      %dma_start3A_389 = tpu.memref_squeeze %dma_start3A_388 : memref<1x128xf32, #tpu.memory_space<vmem>> -> memref<128xf32, #tpu.memory_space<vmem>>
      %dma_start3A_390 = arith.constant 128 : i32
      %dma_start3A_391 = tpu.memref_slice %arg6[%scan3A_25, %dma_start3A_390] : memref<26x512xi32, #tpu.memory_space<vmem>> -> memref<1x128xi32, #tpu.memory_space<vmem>>
      %dma_start3A_392 = tpu.memref_squeeze %dma_start3A_391 : memref<1x128xi32, #tpu.memory_space<vmem>> -> memref<128xi32, #tpu.memory_space<vmem>>
      %dma_start3A_393 = arith.constant 0 : i32
      %dma_start3A_394 = tpu.memref_slice %arg3[%dma_start3A_393] : memref<2600000xf32, #tpu.memory_space<hbm>> -> memref<2600000xf32, #tpu.memory_space<hbm>>
      tpu.enqueue_indirect_dma source(%dma_start3A_394 : memref<2600000xf32, #tpu.memory_space<hbm>>) target(%dma_start3A_389 : memref<128xf32, #tpu.memory_space<vmem>>) offsets(%dma_start3A_392 : memref<128xi32, #tpu.memory_space<vmem>>) semaphore(%arg10 : memref<!tpu.dma_semaphore, #tpu.memory_space<semaphore_mem>>)
      %dma_start3A_395 = arith.constant 256 : i32
      %dma_start3A_396 = tpu.memref_slice %arg7[%scan3A_25, %dma_start3A_395] : memref<26x512xf32, #tpu.memory_space<vmem>> -> memref<1x128xf32, #tpu.memory_space<vmem>>
      %dma_start3A_397 = tpu.memref_squeeze %dma_start3A_396 : memref<1x128xf32, #tpu.memory_space<vmem>> -> memref<128xf32, #tpu.memory_space<vmem>>
      %dma_start3A_398 = arith.constant 256 : i32
      %dma_start3A_399 = tpu.memref_slice %arg6[%scan3A_25, %dma_start3A_398] : memref<26x512xi32, #tpu.memory_space<vmem>> -> memref<1x128xi32, #tpu.memory_space<vmem>>
      %dma_start3A_400 = tpu.memref_squeeze %dma_start3A_399 : memref<1x128xi32, #tpu.memory_space<vmem>> -> memref<128xi32, #tpu.memory_space<vmem>>
      %dma_start3A_401 = arith.constant 0 : i32
      %dma_start3A_402 = tpu.memref_slice %arg3[%dma_start3A_401] : memref<2600000xf32, #tpu.memory_space<hbm>> -> memref<2600000xf32, #tpu.memory_space<hbm>>
      tpu.enqueue_indirect_dma source(%dma_start3A_402 : memref<2600000xf32, #tpu.memory_space<hbm>>) target(%dma_start3A_397 : memref<128xf32, #tpu.memory_space<vmem>>) offsets(%dma_start3A_400 : memref<128xi32, #tpu.memory_space<vmem>>) semaphore(%arg10 : memref<!tpu.dma_semaphore, #tpu.memory_space<semaphore_mem>>)
      %dma_start3A_403 = arith.constant 384 : i32
      %dma_start3A_404 = tpu.memref_slice %arg7[%scan3A_25, %dma_start3A_403] : memref<26x512xf32, #tpu.memory_space<vmem>> -> memref<1x128xf32, #tpu.memory_space<vmem>>
      %dma_start3A_405 = tpu.memref_squeeze %dma_start3A_404 : memref<1x128xf32, #tpu.memory_space<vmem>> -> memref<128xf32, #tpu.memory_space<vmem>>
      %dma_start3A_406 = arith.constant 384 : i32
      %dma_start3A_407 = tpu.memref_slice %arg6[%scan3A_25, %dma_start3A_406] : memref<26x512xi32, #tpu.memory_space<vmem>> -> memref<1x128xi32, #tpu.memory_space<vmem>>
      %dma_start3A_408 = tpu.memref_squeeze %dma_start3A_407 : memref<1x128xi32, #tpu.memory_space<vmem>> -> memref<128xi32, #tpu.memory_space<vmem>>
      %dma_start3A_409 = arith.constant 0 : i32
      %dma_start3A_410 = tpu.memref_slice %arg3[%dma_start3A_409] : memref<2600000xf32, #tpu.memory_space<hbm>> -> memref<2600000xf32, #tpu.memory_space<hbm>>
      tpu.enqueue_indirect_dma source(%dma_start3A_410 : memref<2600000xf32, #tpu.memory_space<hbm>>) target(%dma_start3A_405 : memref<128xf32, #tpu.memory_space<vmem>>) offsets(%dma_start3A_408 : memref<128xi32, #tpu.memory_space<vmem>>) semaphore(%arg10 : memref<!tpu.dma_semaphore, #tpu.memory_space<semaphore_mem>>)
      %scan3A_411 = arith.constant 0 : i32
      scf.yield %scan3A_411 : i32
    }
    %scan3A_8 = arith.constant 26 : i32
    %scan3A_9 = arith.constant 0 : i32
    %scan3A_10 = arith.constant 0 : i32
    %scan3A_11 = arith.constant 26 : i32
    %scan3A_12 = arith.addi %scan3A_10, %scan3A_11 : i32
    %scan3A_13 = arith.constant 1 : i32
    %scan3A_14 = scf.for %scan3A_25 = %scan3A_10 to %scan3A_12 step %scan3A_13 iter_args(%scan3A_26 = %scan3A_9) -> (i32)  : i32 {
      %dma_wait3A = arith.constant 0 : i32
      %dma_wait3A_27 = tpu.memref_slice %arg7[%scan3A_25, %dma_wait3A] : memref<26x512xf32, #tpu.memory_space<vmem>> -> memref<1x512xf32, #tpu.memory_space<vmem>>
      %dma_wait3A_28 = tpu.memref_squeeze %dma_wait3A_27 : memref<1x512xf32, #tpu.memory_space<vmem>> -> memref<512xf32, #tpu.memory_space<vmem>>
      %dma_wait3A_29 = arith.constant 0 : i32
      %dma_wait3A_30 = tpu.memref_slice %arg3[%dma_wait3A_29] : memref<2600000xf32, #tpu.memory_space<hbm>> -> memref<512xf32, #tpu.memory_space<hbm>>
      %dma_wait3A_31 = arith.constant 0 : i32
      %dma_wait3A_32 = tpu.memref_slice %arg7[%scan3A_25, %dma_wait3A_31] : memref<26x512xf32, #tpu.memory_space<vmem>> -> memref<1x512xf32, #tpu.memory_space<vmem>>
      %dma_wait3A_33 = tpu.memref_squeeze %dma_wait3A_32 : memref<1x512xf32, #tpu.memory_space<vmem>> -> memref<512xf32, #tpu.memory_space<vmem>>
      %dma_wait3A_34 = arith.constant 0 : i32
      %dma_wait3A_35 = tpu.memref_slice %arg3[%dma_wait3A_34] : memref<2600000xf32, #tpu.memory_space<hbm>> -> memref<512xf32, #tpu.memory_space<hbm>>
      tpu.wait_dma2 semaphore(%arg10 : memref<!tpu.dma_semaphore, #tpu.memory_space<semaphore_mem>>) src(%dma_wait3A_35 : memref<512xf32, #tpu.memory_space<hbm>>) dst(%dma_wait3A_33 : memref<512xf32, #tpu.memory_space<vmem>>)
      %scan3A_36 = arith.constant 0 : i32
      scf.yield %scan3A_36 : i32
    }
    %scan3A_15 = arith.constant 26 : i32
    %get3A = arith.constant 0 : index
    %get3A_16 = tpu.vector_load %arg9[%get3A] {strides = array<i32>} : memref<16xf32, #tpu.memory_space<vmem>>, vector<16xf32>,
    %get3A_17 = vector.shape_cast %get3A_16 : vector<16xf32> to vector<16xf32>
    %scan3A_18 = arith.constant 0 : i32
    %scan3A_19 = arith.constant 0 : i32
    %scan3A_20 = arith.constant 32 : i32
    %scan3A_21 = arith.addi %scan3A_19, %scan3A_20 : i32
    %scan3A_22 = arith.constant 1 : i32
    %scan3A_23 = scf.for %scan3A_25 = %scan3A_19 to %scan3A_21 step %scan3A_22 iter_args(%scan3A_26 = %scan3A_18) -> (i32)  : i32 {
      %mul3A_27 = arith.constant 16 : i32
      %mul3A_28 = arith.muli %scan3A_25, %mul3A_27 : i32
      %get3A_29 = arith.constant 0 : i32
      %get3A_30 = arith.index_cast %get3A_29 : i32 to index
      %get3A_31 = arith.index_cast %mul3A_28 : i32 to index
      %get3A_32 = tpu.vector_load %arg7[%get3A_30, %get3A_31] {strides = array<i32>} : memref<26x512xf32, #tpu.memory_space<vmem>>, vector<1x16xf32>,
      %get3A_33 = vector.shape_cast %get3A_32 : vector<1x16xf32> to vector<16xf32>
      %add3A_34 = arith.addf %get3A_17, %get3A_33 : vector<16xf32>
      %get3A_35 = arith.constant 1 : i32
      %get3A_36 = arith.index_cast %get3A_35 : i32 to index
      %get3A_37 = arith.index_cast %mul3A_28 : i32 to index
      %get3A_38 = tpu.vector_load %arg7[%get3A_36, %get3A_37] {strides = array<i32>} : memref<26x512xf32, #tpu.memory_space<vmem>>, vector<1x16xf32>,
      %get3A_39 = vector.shape_cast %get3A_38 : vector<1x16xf32> to vector<16xf32>
      %add3A_40 = arith.addf %add3A_34, %get3A_39 : vector<16xf32>
      %get3A_41 = arith.constant 2 : i32
      %get3A_42 = arith.index_cast %get3A_41 : i32 to index
      %get3A_43 = arith.index_cast %mul3A_28 : i32 to index
      %get3A_44 = tpu.vector_load %arg7[%get3A_42, %get3A_43] {strides = array<i32>} : memref<26x512xf32, #tpu.memory_space<vmem>>, vector<1x16xf32>,
      %get3A_45 = vector.shape_cast %get3A_44 : vector<1x16xf32> to vector<16xf32>
      %add3A_46 = arith.addf %add3A_40, %get3A_45 : vector<16xf32>
      %get3A_47 = arith.constant 3 : i32
      %get3A_48 = arith.index_cast %get3A_47 : i32 to index
      %get3A_49 = arith.index_cast %mul3A_28 : i32 to index
      %get3A_50 = tpu.vector_load %arg7[%get3A_48, %get3A_49] {strides = array<i32>} : memref<26x512xf32, #tpu.memory_space<vmem>>, vector<1x16xf32>,
      %get3A_51 = vector.shape_cast %get3A_50 : vector<1x16xf32> to vector<16xf32>
      %add3A_52 = arith.addf %add3A_46, %get3A_51 : vector<16xf32>
      %get3A_53 = arith.constant 4 : i32
      %get3A_54 = arith.index_cast %get3A_53 : i32 to index
      %get3A_55 = arith.index_cast %mul3A_28 : i32 to index
      %get3A_56 = tpu.vector_load %arg7[%get3A_54, %get3A_55] {strides = array<i32>} : memref<26x512xf32, #tpu.memory_space<vmem>>, vector<1x16xf32>,
      %get3A_57 = vector.shape_cast %get3A_56 : vector<1x16xf32> to vector<16xf32>
      %add3A_58 = arith.addf %add3A_52, %get3A_57 : vector<16xf32>
      %get3A_59 = arith.constant 5 : i32
      %get3A_60 = arith.index_cast %get3A_59 : i32 to index
      %get3A_61 = arith.index_cast %mul3A_28 : i32 to index
      %get3A_62 = tpu.vector_load %arg7[%get3A_60, %get3A_61] {strides = array<i32>} : memref<26x512xf32, #tpu.memory_space<vmem>>, vector<1x16xf32>,
      %get3A_63 = vector.shape_cast %get3A_62 : vector<1x16xf32> to vector<16xf32>
      %add3A_64 = arith.addf %add3A_58, %get3A_63 : vector<16xf32>
      %get3A_65 = arith.constant 6 : i32
      %get3A_66 = arith.index_cast %get3A_65 : i32 to index
      %get3A_67 = arith.index_cast %mul3A_28 : i32 to index
      %get3A_68 = tpu.vector_load %arg7[%get3A_66, %get3A_67] {strides = array<i32>} : memref<26x512xf32, #tpu.memory_space<vmem>>, vector<1x16xf32>,
      %get3A_69 = vector.shape_cast %get3A_68 : vector<1x16xf32> to vector<16xf32>
      %add3A_70 = arith.addf %add3A_64, %get3A_69 : vector<16xf32>
      %get3A_71 = arith.constant 7 : i32
      %get3A_72 = arith.index_cast %get3A_71 : i32 to index
      %get3A_73 = arith.index_cast %mul3A_28 : i32 to index
      %get3A_74 = tpu.vector_load %arg7[%get3A_72, %get3A_73] {strides = array<i32>} : memref<26x512xf32, #tpu.memory_space<vmem>>, vector<1x16xf32>,
      %get3A_75 = vector.shape_cast %get3A_74 : vector<1x16xf32> to vector<16xf32>
      %add3A_76 = arith.addf %add3A_70, %get3A_75 : vector<16xf32>
      %get3A_77 = arith.constant 8 : i32
      %get3A_78 = arith.index_cast %get3A_77 : i32 to index
      %get3A_79 = arith.index_cast %mul3A_28 : i32 to index
      %get3A_80 = tpu.vector_load %arg7[%get3A_78, %get3A_79] {strides = array<i32>} : memref<26x512xf32, #tpu.memory_space<vmem>>, vector<1x16xf32>,
      %get3A_81 = vector.shape_cast %get3A_80 : vector<1x16xf32> to vector<16xf32>
      %add3A_82 = arith.addf %add3A_76, %get3A_81 : vector<16xf32>
      %get3A_83 = arith.constant 9 : i32
      %get3A_84 = arith.index_cast %get3A_83 : i32 to index
      %get3A_85 = arith.index_cast %mul3A_28 : i32 to index
      %get3A_86 = tpu.vector_load %arg7[%get3A_84, %get3A_85] {strides = array<i32>} : memref<26x512xf32, #tpu.memory_space<vmem>>, vector<1x16xf32>,
      %get3A_87 = vector.shape_cast %get3A_86 : vector<1x16xf32> to vector<16xf32>
      %add3A_88 = arith.addf %add3A_82, %get3A_87 : vector<16xf32>
      %get3A_89 = arith.constant 10 : i32
      %get3A_90 = arith.index_cast %get3A_89 : i32 to index
      %get3A_91 = arith.index_cast %mul3A_28 : i32 to index
      %get3A_92 = tpu.vector_load %arg7[%get3A_90, %get3A_91] {strides = array<i32>} : memref<26x512xf32, #tpu.memory_space<vmem>>, vector<1x16xf32>,
      %get3A_93 = vector.shape_cast %get3A_92 : vector<1x16xf32> to vector<16xf32>
      %add3A_94 = arith.addf %add3A_88, %get3A_93 : vector<16xf32>
      %get3A_95 = arith.constant 11 : i32
      %get3A_96 = arith.index_cast %get3A_95 : i32 to index
      %get3A_97 = arith.index_cast %mul3A_28 : i32 to index
      %get3A_98 = tpu.vector_load %arg7[%get3A_96, %get3A_97] {strides = array<i32>} : memref<26x512xf32, #tpu.memory_space<vmem>>, vector<1x16xf32>,
      %get3A_99 = vector.shape_cast %get3A_98 : vector<1x16xf32> to vector<16xf32>
      %add3A_100 = arith.addf %add3A_94, %get3A_99 : vector<16xf32>
      %get3A_101 = arith.constant 12 : i32
      %get3A_102 = arith.index_cast %get3A_101 : i32 to index
      %get3A_103 = arith.index_cast %mul3A_28 : i32 to index
      %get3A_104 = tpu.vector_load %arg7[%get3A_102, %get3A_103] {strides = array<i32>} : memref<26x512xf32, #tpu.memory_space<vmem>>, vector<1x16xf32>,
      %get3A_105 = vector.shape_cast %get3A_104 : vector<1x16xf32> to vector<16xf32>
      %add3A_106 = arith.addf %add3A_100, %get3A_105 : vector<16xf32>
      %get3A_107 = arith.constant 13 : i32
      %get3A_108 = arith.index_cast %get3A_107 : i32 to index
      %get3A_109 = arith.index_cast %mul3A_28 : i32 to index
      %get3A_110 = tpu.vector_load %arg7[%get3A_108, %get3A_109] {strides = array<i32>} : memref<26x512xf32, #tpu.memory_space<vmem>>, vector<1x16xf32>,
      %get3A_111 = vector.shape_cast %get3A_110 : vector<1x16xf32> to vector<16xf32>
      %add3A_112 = arith.addf %add3A_106, %get3A_111 : vector<16xf32>
      %get3A_113 = arith.constant 14 : i32
      %get3A_114 = arith.index_cast %get3A_113 : i32 to index
      %get3A_115 = arith.index_cast %mul3A_28 : i32 to index
      %get3A_116 = tpu.vector_load %arg7[%get3A_114, %get3A_115] {strides = array<i32>} : memref<26x512xf32, #tpu.memory_space<vmem>>, vector<1x16xf32>,
      %get3A_117 = vector.shape_cast %get3A_116 : vector<1x16xf32> to vector<16xf32>
      %add3A_118 = arith.addf %add3A_112, %get3A_117 : vector<16xf32>
      %get3A_119 = arith.constant 15 : i32
      %get3A_120 = arith.index_cast %get3A_119 : i32 to index
      %get3A_121 = arith.index_cast %mul3A_28 : i32 to index
      %get3A_122 = tpu.vector_load %arg7[%get3A_120, %get3A_121] {strides = array<i32>} : memref<26x512xf32, #tpu.memory_space<vmem>>, vector<1x16xf32>,
      %get3A_123 = vector.shape_cast %get3A_122 : vector<1x16xf32> to vector<16xf32>
      %add3A_124 = arith.addf %add3A_118, %get3A_123 : vector<16xf32>
      %get3A_125 = arith.constant 16 : i32
      %get3A_126 = arith.index_cast %get3A_125 : i32 to index
      %get3A_127 = arith.index_cast %mul3A_28 : i32 to index
      %get3A_128 = tpu.vector_load %arg7[%get3A_126, %get3A_127] {strides = array<i32>} : memref<26x512xf32, #tpu.memory_space<vmem>>, vector<1x16xf32>,
      %get3A_129 = vector.shape_cast %get3A_128 : vector<1x16xf32> to vector<16xf32>
      %add3A_130 = arith.addf %add3A_124, %get3A_129 : vector<16xf32>
      %get3A_131 = arith.constant 17 : i32
      %get3A_132 = arith.index_cast %get3A_131 : i32 to index
      %get3A_133 = arith.index_cast %mul3A_28 : i32 to index
      %get3A_134 = tpu.vector_load %arg7[%get3A_132, %get3A_133] {strides = array<i32>} : memref<26x512xf32, #tpu.memory_space<vmem>>, vector<1x16xf32>,
      %get3A_135 = vector.shape_cast %get3A_134 : vector<1x16xf32> to vector<16xf32>
      %add3A_136 = arith.addf %add3A_130, %get3A_135 : vector<16xf32>
      %get3A_137 = arith.constant 18 : i32
      %get3A_138 = arith.index_cast %get3A_137 : i32 to index
      %get3A_139 = arith.index_cast %mul3A_28 : i32 to index
      %get3A_140 = tpu.vector_load %arg7[%get3A_138, %get3A_139] {strides = array<i32>} : memref<26x512xf32, #tpu.memory_space<vmem>>, vector<1x16xf32>,
      %get3A_141 = vector.shape_cast %get3A_140 : vector<1x16xf32> to vector<16xf32>
      %add3A_142 = arith.addf %add3A_136, %get3A_141 : vector<16xf32>
      %get3A_143 = arith.constant 19 : i32
      %get3A_144 = arith.index_cast %get3A_143 : i32 to index
      %get3A_145 = arith.index_cast %mul3A_28 : i32 to index
      %get3A_146 = tpu.vector_load %arg7[%get3A_144, %get3A_145] {strides = array<i32>} : memref<26x512xf32, #tpu.memory_space<vmem>>, vector<1x16xf32>,
      %get3A_147 = vector.shape_cast %get3A_146 : vector<1x16xf32> to vector<16xf32>
      %add3A_148 = arith.addf %add3A_142, %get3A_147 : vector<16xf32>
      %get3A_149 = arith.constant 20 : i32
      %get3A_150 = arith.index_cast %get3A_149 : i32 to index
      %get3A_151 = arith.index_cast %mul3A_28 : i32 to index
      %get3A_152 = tpu.vector_load %arg7[%get3A_150, %get3A_151] {strides = array<i32>} : memref<26x512xf32, #tpu.memory_space<vmem>>, vector<1x16xf32>,
      %get3A_153 = vector.shape_cast %get3A_152 : vector<1x16xf32> to vector<16xf32>
      %add3A_154 = arith.addf %add3A_148, %get3A_153 : vector<16xf32>
      %get3A_155 = arith.constant 21 : i32
      %get3A_156 = arith.index_cast %get3A_155 : i32 to index
      %get3A_157 = arith.index_cast %mul3A_28 : i32 to index
      %get3A_158 = tpu.vector_load %arg7[%get3A_156, %get3A_157] {strides = array<i32>} : memref<26x512xf32, #tpu.memory_space<vmem>>, vector<1x16xf32>,
      %get3A_159 = vector.shape_cast %get3A_158 : vector<1x16xf32> to vector<16xf32>
      %add3A_160 = arith.addf %add3A_154, %get3A_159 : vector<16xf32>
      %get3A_161 = arith.constant 22 : i32
      %get3A_162 = arith.index_cast %get3A_161 : i32 to index
      %get3A_163 = arith.index_cast %mul3A_28 : i32 to index
      %get3A_164 = tpu.vector_load %arg7[%get3A_162, %get3A_163] {strides = array<i32>} : memref<26x512xf32, #tpu.memory_space<vmem>>, vector<1x16xf32>,
      %get3A_165 = vector.shape_cast %get3A_164 : vector<1x16xf32> to vector<16xf32>
      %add3A_166 = arith.addf %add3A_160, %get3A_165 : vector<16xf32>
      %get3A_167 = arith.constant 23 : i32
      %get3A_168 = arith.index_cast %get3A_167 : i32 to index
      %get3A_169 = arith.index_cast %mul3A_28 : i32 to index
      %get3A_170 = tpu.vector_load %arg7[%get3A_168, %get3A_169] {strides = array<i32>} : memref<26x512xf32, #tpu.memory_space<vmem>>, vector<1x16xf32>,
      %get3A_171 = vector.shape_cast %get3A_170 : vector<1x16xf32> to vector<16xf32>
      %add3A_172 = arith.addf %add3A_166, %get3A_171 : vector<16xf32>
      %get3A_173 = arith.constant 24 : i32
      %get3A_174 = arith.index_cast %get3A_173 : i32 to index
      %get3A_175 = arith.index_cast %mul3A_28 : i32 to index
      %get3A_176 = tpu.vector_load %arg7[%get3A_174, %get3A_175] {strides = array<i32>} : memref<26x512xf32, #tpu.memory_space<vmem>>, vector<1x16xf32>,
      %get3A_177 = vector.shape_cast %get3A_176 : vector<1x16xf32> to vector<16xf32>
      %add3A_178 = arith.addf %add3A_172, %get3A_177 : vector<16xf32>
      %get3A_179 = arith.constant 25 : i32
      %get3A_180 = arith.index_cast %get3A_179 : i32 to index
      %get3A_181 = arith.index_cast %mul3A_28 : i32 to index
      %get3A_182 = tpu.vector_load %arg7[%get3A_180, %get3A_181] {strides = array<i32>} : memref<26x512xf32, #tpu.memory_space<vmem>>, vector<1x16xf32>,
      %get3A_183 = vector.shape_cast %get3A_182 : vector<1x16xf32> to vector<16xf32>
      %add3A_184 = arith.addf %add3A_178, %get3A_183 : vector<16xf32>
      %swap3A = arith.index_cast %mul3A_28 : i32 to index
      %swap3A_185 = tpu.vector_load %arg8[%swap3A] {strides = array<i32>} : memref<512xf32, #tpu.memory_space<vmem>>, vector<16xf32>,
      %swap3A_186 = vector.shape_cast %swap3A_185 : vector<16xf32> to vector<16xf32>
      %swap3A_187 = vector.shape_cast %add3A_184 : vector<16xf32> to vector<16xf32>
      tpu.vector_store %arg8[%swap3A], %swap3A_187 {strides = array<i32>} : memref<512xf32, #tpu.memory_space<vmem>>, vector<16xf32>,
      %scan3A_188 = arith.constant 0 : i32
      scf.yield %scan3A_188 : i32
    }
    %scan3A_24 = arith.constant 32 : i32
    "tpu.region"() ({
      %run_scoped3A = tpu.sem_alloc : memref<!tpu.dma_semaphore, #tpu.memory_space<semaphore_mem>>
      %dma_start3A = tpu.memref_slice %arg5[%mul3A_2] : memref<16384xf32, #tpu.memory_space<hbm>> -> memref<512xf32, #tpu.memory_space<hbm>>
      %dma_start3A_25 = tpu.memref_slice %arg5[%mul3A_2] : memref<16384xf32, #tpu.memory_space<hbm>> -> memref<512xf32, #tpu.memory_space<hbm>>
      tpu.enqueue_dma source(%arg8 : memref<512xf32, #tpu.memory_space<vmem>>) target(%dma_start3A_25 : memref<512xf32, #tpu.memory_space<hbm>>) target_semaphore(%run_scoped3A : memref<!tpu.dma_semaphore, #tpu.memory_space<semaphore_mem>>)
      %dma_wait3A = tpu.memref_slice %arg5[%mul3A_2] : memref<16384xf32, #tpu.memory_space<hbm>> -> memref<512xf32, #tpu.memory_space<hbm>>
      %dma_wait3A_26 = tpu.memref_slice %arg5[%mul3A_2] : memref<16384xf32, #tpu.memory_space<hbm>> -> memref<512xf32, #tpu.memory_space<hbm>>
      tpu.wait_dma2 semaphore(%run_scoped3A : memref<!tpu.dma_semaphore, #tpu.memory_space<semaphore_mem>>) src(%arg8 : memref<512xf32, #tpu.memory_space<vmem>>) dst(%dma_wait3A_26 : memref<512xf32, #tpu.memory_space<hbm>>)
      tpu.yield
    }) : () -> ()
    return
  }
}

</mosaic_0001>

<sc_bundles>
// kernel: kernel.3.cloned.1.call-start
scs
__scs_entry_jumppad:
0x0: {  	(pc) =	sbr.rel $0x88, $3  }
0x1: {  	(tag) =	ssettag $0x0;
	lr =	simm.s32 $0x1  }
0x2: {  	[smem:$0x3F9E] =	sst lr;
	_ =	strace $0xD0000000  }
0x3: {  	_ = 	snop  }
0x4: {  	_ = 	snop  }
0x5: {  	_ = 	snop  }
0x6: {  	_ = 	snop  }
0x7: {  	_ = 	snop  }
__scs_overlays_trampoline_lowered:
0x8: {  	[smem:$0x3FAD] =	sst s0  }
0x9: {  	[smem:$0x3FAE] =	sst s1  }
0xa: {  	[smem:$0x3FAF] =	sst s2  }
0xb: {  	[smem:$0x3FB0] =	sst s3  }
0xc: {  	[smem:$0x3FB1] =	sst s4  }
0xd: {  	[smem:$0x3FB2] =	sst s5  }
0xe: {  	[smem:$0x3FB3] =	sst s6  }
0xf: {  	[smem:$0x3FB4] =	sst s7  }
0x10: {  	[smem:$0x3FB5] =	sst s8  }
0x11: {  	[smem:$0x3FB6] =	sst s9;
	s0 =	simm.s32 @!p0 $0x0  }
0x12: {  	s1 =	sld [smem:$0x3F9C];
	s0 =	simm.s32 @p0 $0x1  }
0x13: {  	[smem:$0x3FB7] =	sst s0;
	s0 =	simm.s32 @!p1 $0x0  }
0x14: {  	s2 =	sld [smem:$0x3F9B];
	s0 =	simm.s32 @p1 $0x1  }
0x15: {  	[smem:$0x3FB8] =	sst s0;
	s0 =	simm.s32 @!p2 $0x0  }
0x16: {  	s3 =	sld [smem:$0x3FDB];
	s0 =	simm.s32 @p2 $0x1  }
0x17: {  	s4 =	simm.s32 $0x1BF5;
	[smem:$0x3FBA] =	sst s0  }
0x18: {  	s0 =	sld [smem:$0x3F9D];
	_ =	swait.ge [sflag:s4], $0x0  }
0x19: {  	s7 =	sld [smem:$0x3F9E]  }
0x1a: {  	s8 =	sadd.s32 $0xFFFFE003, lr  }
0x1b: {  	s9 =	sadd.s32 $0xFFFFFEF7, lr;
	s5 =	simm.s32 $0xFFFFFFFF;
	p2 =	slt.u32 s8, $0xFFFFF086  }
0x1c: {  	p1 =	slt.u32 s9, $0xF7A;
	s5 =	simm.s32 @!p2 $0x0  }
0x1d: {  	s5 =	simm.s32 @p1 $0x1;
	p0 =	seq.s32 s7, s2  }
0x1e: {  	s7 =	smul.u32 @!p0 $0xF7A, s2;
	p2 =	seq.s32 @!p0 s5, $0x0  }
0x1f: {  	s9 =	smul.u32 $0xF7A, s1;
	s8 =	simm.s32 @!p0 $0x1BF5;
	p2 =	por !p2, p0  }
0x20: {  	[sflag:s8] =	ssyncset.s32 @!p0 $0xFFFFF086;
	s6 =	sadd.s32 @!p0 s3, s7;
	s7 =	simm.s32 @!p0 $0x108  }
0x21: {  	s3 =	sadd.s32 s3, s9;
	s6 =	sadd.s32 @!p0 $0x88, s6;
	s7 =	simm.s32 @p2 $0x1082  }
0x22: {  	[simem:s7], [sflag:s8] =	dma.local @!p0 [hbm:s6], $0xF7A  }
0x23: {  	s9 =	sor.u32 $0xD0000000, s2;
	s6 =	simm.s32 $0x108;
	_ =	swait.ge @!p0 [sflag:s8], $0x0  }
0x24: {  	s3 =	sadd.s32 $0x88, s3;
	s6 =	simm.s32 @!p1 $0x1082;
	[sflag:s4] =	ssyncset.s32 $0xFFFFF086  }
0x25: {  	[simem:s6], [sflag:s4] =	dma.local [hbm:s3], $0xF7A  }
0x26: {  	[smem:$0x3F9E] =	sst s1;
	(tag) =	ssettag s2;
	_ =	strace s9  }
0x27: {  	s1 =	sld [smem:$0x3FAE]  }
0x28: {  	s2 =	sld [smem:$0x3FAF]  }
0x29: {  	s4 =	sld [smem:$0x3FB1]  }
0x2a: {  	p0 =	seq.s32 s5, $0x0;
	s5 =	sld [smem:$0x3FB2]  }
0x2b: {  	s6 =	sld [smem:$0x3FB3]  }
0x2c: {  	s7 =	sld [smem:$0x3FB4]  }
0x2d: {  	s3 =	simm.s32 $0x108;
	s8 =	sld [smem:$0x3FB5]  }
0x2e: {  	s3 =	simm.s32 @!p0 $0x1082;
	s9 =	sld [smem:$0x3FB6]  }
0x2f: {  	lr =	sadd.s32 s0, s3;
	s0 =	sld [smem:$0x3FAD]  }
0x30: {  	s3 =	sld [smem:$0x3FB0]  }
0x31: {  	[smem:$0x3FB9] =	sst s10  }
0x32: {  	s10 =	sld [smem:$0x3FB7];
	_ =	sdelay $0x3  }
0x33: {  	p0 =	seq.s32 s10, $0x1;
	s10 =	sld [smem:$0x3FB9];
	_ =	sdelay $0x3  }
0x34: {  	[smem:$0x3FB9] =	sst s10  }
0x35: {  	s10 =	sld [smem:$0x3FB8];
	_ =	sdelay $0x3  }
0x36: {  	p1 =	seq.s32 s10, $0x1;
	s10 =	sld [smem:$0x3FB9];
	_ =	sdelay $0x3  }
0x37: {  	[smem:$0x3FB9] =	sst s10  }
0x38: {  	s10 =	sld [smem:$0x3FBA]  }
0x39: {  	_ = 	snop;
	(pc) =	sbr.ind lr, $3  }
0x3a: {  	_ = 	snop  }
0x3b: {  	_ = 	snop  }
0x3c: {  	p2 =	seq.s32 s10, $0x1;
	s10 =	sld [smem:$0x3FB9]  }
0x3d: {  	_ =	shalt  }
0x3e: {  	_ =	shalt  }
0x3f: {  	_ =	shalt  }
0x40: {  	_ =	shalt  }
0x41: {  	_ =	shalt  }
0x42: {  	_ =	shalt  }
0x43: {  	_ =	shalt  }
0x44: {  	_ =	shalt  }
0x45: {  	_ =	shalt  }
0x46: {  	_ =	shalt  }
0x47: {  	_ =	shalt  }
0x48: {  	_ =	shalt  }
0x49: {  	_ =	shalt  }
0x4a: {  	_ =	shalt  }
0x4b: {  	_ =	shalt  }
0x4c: {  	_ =	shalt  }
0x4d: {  	_ =	shalt  }
0x4e: {  	_ =	shalt  }
0x4f: {  	_ =	shalt  }
0x50: {  	_ =	shalt  }
0x51: {  	_ =	shalt  }
0x52: {  	_ =	shalt  }
0x53: {  	_ =	shalt  }
0x54: {  	_ =	shalt  }
0x55: {  	_ =	shalt  }
0x56: {  	_ =	shalt  }
0x57: {  	_ =	shalt  }
0x58: {  	_ =	shalt  }
0x59: {  	_ =	shalt  }
0x5a: {  	_ =	shalt  }
0x5b: {  	_ =	shalt  }
0x5c: {  	_ =	shalt  }
0x5d: {  	_ =	shalt  }
0x5e: {  	_ =	shalt  }
0x5f: {  	_ =	shalt  }
0x60: {  	_ =	shalt  }
0x61: {  	_ =	shalt  }
0x62: {  	_ =	shalt  }
0x63: {  	_ =	shalt  }
0x64: {  	_ =	shalt  }
0x65: {  	_ =	shalt  }
0x66: {  	_ =	shalt  }
0x67: {  	_ =	shalt  }
0x68: {  	_ =	shalt  }
0x69: {  	_ =	shalt  }
0x6a: {  	_ =	shalt  }
0x6b: {  	_ =	shalt  }
0x6c: {  	_ =	shalt  }
0x6d: {  	_ =	shalt  }
0x6e: {  	_ =	shalt  }
0x6f: {  	_ =	shalt  }
0x70: {  	_ =	shalt  }
0x71: {  	_ =	shalt  }
0x72: {  	_ =	shalt  }
0x73: {  	_ =	shalt  }
0x74: {  	_ =	shalt  }
0x75: {  	_ =	shalt  }
0x76: {  	_ =	shalt  }
0x77: {  	_ =	shalt  }
0x78: {  	_ =	shalt  }
0x79: {  	_ =	shalt  }
0x7a: {  	_ =	shalt  }
0x7b: {  	_ =	shalt  }
0x7c: {  	_ =	shalt  }
0x7d: {  	_ =	shalt  }
0x7e: {  	_ =	shalt  }
0x7f: {  	_ =	shalt  }
0x80: {  	_ =	shalt  }
0x81: {  	_ =	shalt  }
0x82: {  	_ =	shalt  }
0x83: {  	_ =	shalt  }
0x84: {  	_ =	shalt  }
0x85: {  	_ =	shalt  }
0x86: {  	_ =	shalt  }
0x87: {  	_ =	shalt  }
.Lfunc_end0:
.L_simem_size_0:
called_computation_lowered:
.L_overlay_start_0:
0x88: {  	s2 =	sld [smem:$0x3FD9]  }
0x89: {  	s3 =	sld [smem:$0x3FFE];
	_ =	sdelay $0x1  }
0x8a: {  	s1 =	srdreg.scid  }
0x8b: {  	s0 =	sand.u32 $0x1, s1  }
0x8c: {  	s17 =	sshll.u32 s0, $0xA;
	s2 =	sadd.s32 s3, s2  }
0x8d: {  	s2 =	sadd.s32 s2, s17  }
0x8e: {  	[smem:$0x3FC5] =	sst s2  }
0x8f: {  	_ = 	snop  }
0x90: {  	s2 =	sld [smem:$0x3FC9]  }
0x91: {  	s18 =	sld [smem:$0x3FD0];
	(tm) =	ssettm $0x1  }
0x92: {  	s4 =	sld [smem:$0x3FFB];
	_ =	sdelay $0x3  }
0x93: {  	_ =	strace s4  }
0x94: {  	s4 =	sld [smem:$0x3FFC];
	_ =	sdelay $0x3  }
0x95: {  	_ =	strace s4  }
0x96: {  	s4 =	sld [smem:$0x3FFD];
	_ =	sdelay $0x3  }
0x97: {  	_ =	strace s4  }
0x98: {  	_ =	strace $0x8FFFFFFF  }
0x99: {  	s19 =	sld [smem:$0x3FDB];
	_ =	sdelay $0x1  }
0x9a: {  	s5 =	simm.s32 $_scs_section_size  }
0x9b: {  	s6 =	simm.s32 $_size__tile_overlayer_lowered;
	s7 =	simm.s32 $_tile_overlayer_lowered  }
0x9c: {  	s22 =	simm.s32 $0x1BFF;
	s21 =	sshll.u32 s7, $0x1;
	s4 =	sadd.s32 s5, s19  }
0x9d: {  	s8 =	simm.s32 $0x0;
	s20 =	sshll.u32 s6, $0x1;
	s6 =	sadd.s32 s21, s4  }
0x9e: {  	[timem:s8], [sflag:s22] =	dma.local [hbm:s6], s20  }
0x9f: {  	_ =	swait.ge [sflag:s22], s20  }
0xa0: {  	s5 =	ssub.s32 $0x0, s20;
	[sflag:s22] =	ssyncset.done $0x0  }
0xa1: {  	[sflag:s22] =	ssyncadd.s32 s5;
	_ =	sdelay $0x1  }
0xa2: {  	s23 =	simm.s32 $0x1B8B  }
0xa3: {  	_ =	swait.ge [sflag:s23], $0x1  }
0xa4: {  	[sflag:s23] =	ssyncset.done $0x0  }
0xa5: {  	s25 =	simm.s32 $0x1B8E;
	s24 =	sld [smem:$0x3FFE];
	[sflag:s23] =	ssyncadd.s32 $0xFFFFFFFF  }
0xa6: {  	s26 =	simm.s32 $execute0_lowered;
	[smem:$0x3FD2] =	sst s25  }
0xa7: {  	s6 =	sshll.u32 s26, $0x1;
	_ =	strace $0x80000046;
	[dreg:$0x1] =	wrdreg $0xFFFFFFFF  }
0xa8: {  	s28 =	simm.s32 $_size_execute0_lowered;
	s4 =	sadd.s32 s4, s6;
	[dreg:$0x0] =	wrdreg $0x0  }
0xa9: {  	s6 =	sshll.u32 s28, $0x1;
	[dreg:$0x2] =	wrdreg s4  }
0xaa: {  	[dreg:$0x3] =	wrdreg s6  }
0xab: {  	[dreg:$0x4] =	wrdreg $0xC0  }
0xac: {  	_ =	task [dreg:s8], $0x5FFFF  }
0xad: {  	[dreg:$0x1] =	wrdreg $0xFFFFFFFF  }
0xae: {  	[dreg:$0x0] =	wrdreg $0x60  }
0xaf: {  	[dreg:$0x2] =	wrdreg s2  }
0xb0: {  	[dreg:$0x3] =	wrdreg s24  }
0xb1: {  	[dreg:$0x4] =	wrdreg s18  }
0xb2: {  	[dreg:$0x5] =	wrdreg $0x9  }
0xb3: {  	_ =	task.clear_ibuf [dreg:s8], $0x6FFFF;
	_ =	strace $0x90000046  }
0xb4: {  	s29 =	simm.s32 $0x9;
	_ =	strace $0x80000048  }
0xb5: {  	_ =	swait.ge [sflag:s29], $0x1  }
0xb6: {  	[sflag:s29] =	ssyncadd.s32 $0xFFFFFFFF  }
0xb7: {  	_ =	strace $0x90000048  }
0xb8: {  	_ =	sfence  }
0xb9: {  	s30 =	sld [smem:$0x0];
	_ =	sdelay $0x2  }
0xba: {  	s31 =	sshll.u32 s1, $0xD;
	s1 =	sshrl.u32 s1, $0x2  }
0xbb: {  	s3 =	sand.u32 $0x4000, s31;
	s1 =	sadd.s32 s1, s30  }
0xbc: {  	s0 =	sor.u32 s3, s0;
	s1 =	sshll.u32 s1, $0x11  }
0xbd: {  	s0 =	sor.u32 s1, s0  }
0xbe: {  	s0 =	sadd.s32 $0x8F2B, s0  }
0xbf: {  	[sflag:s0] =	ssyncadd.remote.s32 $0x1  }
0xc0: {  	_ =	sfence.sel $0xFFFF  }
0xc1: {  	[dreg:$0x0] =	wrdreg $0xFFFFFFFF;
	(pc) =	sbr.abs _section_cstart, $3  }
0xc2: {  	[dreg:$0x1] =	wrdreg $0xFFFFFFFF  }
0xc3: {  	_ =	task.clear_ibuf [dreg:s8], $0x2FFFF;
	_ =	strace $0x9FFFFFFF  }
0xc4: {  	(tm) =	ssettm $0x7FFFFFFF  }
0xc5: {  	_ =	shalt  }
tec
execute0_lowered:
.L_overlay_start_1:
0x0: {  	(tag) =	ssettag $0x1  }
0x1: {  	s5 =	rddreg [dreg:$0x0]  }
0x2: {  	s4 =	rddreg [dreg:$0x1]  }
0x3: {  	s6 =	rddreg [dreg:$0x2]  }
0x4: {  	s0 =	rddreg [dreg:$0x3];
	s2 =	simm.s32 $0x0;
	s3 =	srdreg.scid  }
0x5: {  	s1 =	stileid.u32;
	s11 =	simm.s32 $0x8200;
	s12 =	simm.s32 $0x80  }
0x6: {  	s13 =	simm.s32 $0x1;
	s14 =	simm.s32 $0x8000;
	s15 =	simm.s32 $0x0  }
0x7: {  	[smem:$0x7FF] =	sst s2;
	s7 =	sand.u32 $0x1, s3;
	s8 =	sshll.u32 s1, $0xA  }
0x8: {  	s3 =	sadd.s32 $0x400, s4;
	s4 =	sadd.s32 $0x4FA00, s4;
	s9 =	sshll.u32 s7, $0x9  }
0x9: {  	_ =	strace $0x80000047;
	s7 =	ssub.s32 $0x2, s7;
	s8 =	sor.u32 s9, s8  }
0xa: {  	s31 =	sshrl.u32 s7, $0x1;
	s9 =	simm.s32 $0x20000;
	s10 =	sshrl.u32 s8, $0x3  }
0xb: {  	s7 =	ssub.s32 s7, s31;
	s5 =	sadd.s32 s5, s8;
	s8 =	simm.s32 $0x1000  }
0xc: {  	s6 =	sadd.s32 s6, s10;
	s7 =	smax.u32 s7, $0x1;
	s10 =	simm.s32 $0x2  }
.LBB2_1:
0xd: {  	[tilespmem:s2], [sflag:$0x2] =	stream.strided.gather [hbm4b:s5+s8], $0x4000, s9, s8, $0x38;
	[tilespmem:$0x8280] =	vst v63  }
0xe: {  	_ =	swait.ge [sflag:s10], $0x4000  }
0xf: {  	[sflag:s10] =	ssyncset.done $0x0  }
0x10: {  	[sflag:s10] =	ssyncadd.s32 $0xFFFFC000  }
0x11: {  	[tilespmem:s11], [sflag:$0x2] =	stream.linear.gather [hbm4b:s4+s2], $0x80, $0x38;
	[tilespmem:$0x8280] =	vst v63  }
0x12: {  	_ =	swait.ge [sflag:s10], $0x80  }
0x13: {  	s16 =	sand.u32 $0x3000, s2;
	s17 =	sand.u32 $0x380, s2;
	[sflag:s10] =	ssyncset.done $0x0  }
0x14: {  	s17 =	sor.u32 s17, s16;
	[sflag:s10] =	ssyncadd.s32 $0xFFFFFF80  }
0x15: {  	v1 =	vld [tilespmem:s17+$0x850]  }
0x16: {  	s21 =	simm.s32 $0x200;
	v0 =	vld [tilespmem:s17+$0x840]  }
0x17: {  	s22 =	simm.s32 $0x80;
	s23 =	simm.s32 $0x30D40;
	s20 =	simm.s32 $0x0;
	v2 =	vld [tilespmem:s17+$0xC00]  }
0x18: {  	s16 =	simm.s32 $0x186A0;
	s18 =	sand.u32 $0x3000, s21;
	s19 =	sand.u32 $0x380, s22;
	v3 =	vld [tilespmem:s17+$0x830]  }
.LBB2_2:
0x19: {  	p0 =	sne.s32 s23, $0x2625A0  }
0x1a: {  	s22 =	sadd.s32 $0x80, s22;
	s21 =	sadd.s32 $0x200, s21;
	v4 =	vld [tilespmem:s17+$0x50];
	s26 =	smov.u32 s23  }
0x1b: {  	s23 =	sadd.s32 $0x186A0, s23;
	s24 =	sand.u32 $0x3000, s21;
	s25 =	sand.u32 $0x380, s22;
	v1 =	vadd.s32 s20, v1;
	v5 =	vld [tilespmem:s17+$0xC50];
	v0 =	vadd.s32 s20, v0  }
0x1c: {  	v2 =	vadd.s32 s20, v2;
	v6 =	vld [tilespmem:s17+$0xC20]  }
0x1d: {  	v3 =	vadd.s32 s20, v3;
	[tilespmem:s17+$0x850] =	vst v1;
	v1 =	vld [tilespmem:s17+$0xC10]  }
0x1e: {  	[tilespmem:s17+$0x830] =	vst v3;
	v3 =	vld [tilespmem:s17+$0x870]  }
0x1f: {  	[tilespmem:s17+$0xC00] =	vst v2;
	v2 =	vld [tilespmem:s17+$0xC40]  }
0x20: {  	v5 =	vadd.s32 s20, v5;
	[tilespmem:s17+$0x840] =	vst v0;
	v0 =	vld [tilespmem:s17+$0xC30]  }
0x21: {  	v6 =	vadd.s32 s20, v6;
	[tilespmem:s17+$0xC50] =	vst v5;
	v5 =	vld [tilespmem:s17+$0xC60]  }
0x22: {  	v7 =	vld [tilespmem:s17+$0x70];
	v1 =	vadd.s32 s20, v1;
	[tilespmem:s17+$0xC20] =	vst v6  }
0x23: {  	v6 =	vld [tilespmem:s17+$0x60];
	v3 =	vadd.s32 s20, v3;
	[tilespmem:s17+$0xC10] =	vst v1  }
0x24: {  	v1 =	vld [tilespmem:s17+$0x40];
	[tilespmem:s17+$0x870] =	vst v3;
	v2 =	vadd.s32 s20, v2  }
0x25: {  	v3 =	vld [tilespmem:s17+$0x820];
	v0 =	vadd.s32 s20, v0;
	[tilespmem:s17+$0xC40] =	vst v2  }
0x26: {  	v2 =	vld [tilespmem:s17+$0x800];
	[tilespmem:s17+$0xC30] =	vst v0;
	v0 =	vadd.s32 s20, v5  }
0x27: {  	v5 =	vld [tilespmem:s17+$0x20];
	v7 =	vadd.s32 s20, v7;
	[tilespmem:s17+$0xC60] =	vst v0  }
0x28: {  	v0 =	vld [tilespmem:s17+$0x10];
	v6 =	vadd.s32 s20, v6;
	[tilespmem:s17+$0x70] =	vst v7  }
0x29: {  	v1 =	vadd.s32 s20, v1;
	[tilespmem:s17+$0x60] =	vst v6;
	v6 =	vld [tilespmem:s17+$0x430]  }
0x2a: {  	[tilespmem:s17+$0x40] =	vst v1;
	v1 =	vld [tilespmem:s17+$0x400];
	v3 =	vadd.s32 s20, v3  }
0x2b: {  	v7 =	vld [tilespmem:s17+$0x440];
	v2 =	vadd.s32 s20, v2;
	[tilespmem:s17+$0x820] =	vst v3  }
0x2c: {  	v3 =	vadd.s32 s20, v5;
	v5 =	vld [tilespmem:s17+$0x420];
	[tilespmem:s17+$0x800] =	vst v2  }
0x2d: {  	v0 =	vadd.s32 s20, v0;
	[tilespmem:s17+$0x20] =	vst v3;
	v2 =	vld [tilespmem:s17+$0x810]  }
0x2e: {  	v3 =	vld [tilespmem:s17+$0x0];
	[tilespmem:s17+$0x10] =	vst v0;
	v0 =	vadd.s32 s20, v6  }
0x2f: {  	v1 =	vadd.s32 s20, v1;
	[tilespmem:s17+$0x430] =	vst v0;
	v0 =	vld [tilespmem:s17+$0x470]  }
0x30: {  	[tilespmem:s17+$0x400] =	vst v1;
	v1 =	vadd.s32 s20, v7;
	v6 =	vld [tilespmem:s17+$0x460]  }
0x31: {  	v7 =	vld [tilespmem:s17+$0x30];
	v5 =	vadd.s32 s20, v5;
	[tilespmem:s17+$0x440] =	vst v1  }
0x32: {  	[tilespmem:s17+$0x420] =	vst v5;
	v1 =	vadd.s32 s20, v2;
	v2 =	vld [tilespmem:s17+$0x860]  }
0x33: {  	v3 =	vadd.s32 s20, v3;
	v5 =	vld [tilespmem:s17+$0x450];
	[tilespmem:s17+$0x810] =	vst v1  }
0x34: {  	[tilespmem:s17+$0x0] =	vst v3;
	v1 =	vld [tilespmem:s17+$0x410];
	v0 =	vadd.s32 s20, v0  }
0x35: {  	v3 =	vadd.s32 s20, v6;
	[tilespmem:s17+$0x470] =	vst v0;
	v0 =	vld [tilespmem:s17+$0xC70]  }
0x36: {  	v6 =	vadd.s32 s20, v7;
	[tilespmem:s17+$0x460] =	vst v3  }
0x37: {  	[tilespmem:s17+$0x30] =	vst v6;
	v2 =	vadd.s32 s20, v2  }
0x38: {  	v3 =	vadd.s32 s20, v4;
	v4 =	vadd.s32 s20, v5;
	[tilespmem:s17+$0x860] =	vst v2  }
0x39: {  	v1 =	vadd.s32 s20, v1;
	[tilespmem:s17+$0x450] =	vst v4  }
0x3a: {  	[tilespmem:s17+$0x410] =	vst v1;
	v0 =	vadd.s32 s20, v0;
	s20 =	smov.u32 s16;
	s16 =	smov.u32 s26  }
0x3b: {  	s26 =	sor.u32 $0x4000, s17;
	[tilespmem:s17+$0xC70] =	vst v0  }
0x3c: {  	s28 =	sor.u32 $0x400, s17;
	s29 =	sor.u32 $0x4400, s17;
	[tilespmem:s17+$0x50] =	vst v3  }
0x3d: {  	[tilespmem:s26], [sflag:$0x1] =	stream.indirect.gather [hbm4b:s3+s12], $0x1, s17, s12, $0xb8;
	[tilespmem:$0x8280] =	vst v63  }
0x3e: {  	s30 =	sor.u32 $0x4800, s17;
	s26 =	sor.u32 $0x800, s17  }
0x3f: {  	[tilespmem:s29], [sflag:$0x1] =	stream.indirect.gather [hbm4b:s3+s12], $0x1, s28, s12, $0xb8;
	[tilespmem:$0x8280] =	vst v63  }
0x40: {  	s28 =	sor.u32 $0xC00, s17;
	s29 =	sor.u32 $0x4C00, s17  }
0x41: {  	[tilespmem:s30], [sflag:$0x1] =	stream.indirect.gather [hbm4b:s3+s12], $0x1, s26, s12, $0xb8;
	[tilespmem:$0x8280] =	vst v63  }
0x42: {  	s17 =	sor.u32 s19, s18;
	s18 =	smov.u32 s24;
	s19 =	smov.u32 s25  }
0x43: {  	[tilespmem:s29], [sflag:$0x1] =	stream.indirect.gather [hbm4b:s3+s12], $0x1, s28, s12, $0xb8;
	[tilespmem:$0x8280] =	vst v63  }
.Ltmp0:
0x44: {  	_ = 	snop;
	(pc) =	sbr.rel @p0 .LBB2_2-.Ltmp0, $4  }
0x45: {  	v1 =	vld [tilespmem:s17+$0x850]  }
0x46: {  	v0 =	vld [tilespmem:s17+$0x840]  }
0x47: {  	v2 =	vld [tilespmem:s17+$0xC00]  }
0x48: {  	v3 =	vld [tilespmem:s17+$0x830]  }
0x49: {  	_ = 	snop  }
0x4a: {  	v5 =	vld [tilespmem:s17+$0xC50]  }
0x4b: {  	v6 =	vld [tilespmem:s17+$0xC20];
	v1 =	vadd.s32 s20, v1  }
0x4c: {  	v37 =	vld [tilespmem:s17+$0x10];
	[tilespmem:s17+$0x850] =	vst v1;
	v0 =	vadd.s32 s20, v0  }
0x4d: {  	v38 =	vld [tilespmem:s17+$0x440];
	[tilespmem:s17+$0x840] =	vst v0;
	v1 =	vadd.s32 s20, v3  }
0x4e: {  	v3 =	vld [tilespmem:s17+$0xC10];
	[tilespmem:s17+$0x830] =	vst v1;
	v1 =	vadd.s32 s20, v2  }
0x4f: {  	v2 =	vld [tilespmem:s17+$0x870];
	v5 =	vadd.s32 s20, v5;
	[tilespmem:s17+$0xC00] =	vst v1  }
0x50: {  	v0 =	vld [tilespmem:s17+$0xC30];
	v6 =	vadd.s32 s20, v6;
	[tilespmem:s17+$0xC50] =	vst v5  }
0x51: {  	v39 =	vadd.s32 s20, v37;
	v1 =	vld [tilespmem:s17+$0xC40];
	[tilespmem:s17+$0xC20] =	vst v6  }
0x52: {  	v34 =	vld [tilespmem:s17+$0xC60];
	v41 =	vadd.s32 s20, v38;
	[tilespmem:s17+$0x10] =	vst v39  }
0x53: {  	v7 =	vld [tilespmem:s17+$0x70];
	[tilespmem:s17+$0x440] =	vst v41;
	v3 =	vadd.s32 s20, v3  }
0x54: {  	[tilespmem:s17+$0xC10] =	vst v3;
	v2 =	vadd.s32 s20, v2;
	v3 =	vld [tilespmem:s17+$0x40]  }
0x55: {  	v0 =	vadd.s32 s20, v0;
	[tilespmem:s17+$0x870] =	vst v2;
	v2 =	vld [tilespmem:s17+$0x820]  }
0x56: {  	v35 =	vld [tilespmem:s17+$0x60];
	[tilespmem:s17+$0xC30] =	vst v0;
	v1 =	vadd.s32 s20, v1  }
0x57: {  	v0 =	vadd.s32 s20, v34;
	[tilespmem:s17+$0xC40] =	vst v1;
	v1 =	vld [tilespmem:s17+$0x800]  }
0x58: {  	v36 =	vld [tilespmem:s17+$0x20];
	[tilespmem:s17+$0xC60] =	vst v0;
	v0 =	vadd.s32 s20, v7  }
0x59: {  	[tilespmem:s17+$0x70] =	vst v0;
	v0 =	vadd.s32 s20, v3;
	v3 =	vld [tilespmem:s17+$0x430]  }
0x5a: {  	[tilespmem:s17+$0x40] =	vst v0;
	v0 =	vld [tilespmem:s17+$0x400];
	v2 =	vadd.s32 s20, v2  }
0x5b: {  	v6 =	vadd.s32 s20, v35;
	[tilespmem:s17+$0x820] =	vst v2;
	v2 =	vld [tilespmem:s17+$0x420]  }
0x5c: {  	v42 =	vld [tilespmem:s17+$0x30];
	[tilespmem:s17+$0x60] =	vst v6;
	v1 =	vadd.s32 s20, v1  }
0x5d: {  	v5 =	vadd.s32 s20, v36;
	[tilespmem:s17+$0x800] =	vst v1;
	v1 =	vld [tilespmem:s17+$0x810]  }
0x5e: {  	v40 =	vld [tilespmem:s17+$0x0];
	[tilespmem:s17+$0x20] =	vst v5;
	v3 =	vadd.s32 s20, v3  }
0x5f: {  	[tilespmem:s17+$0x430] =	vst v3;
	v0 =	vadd.s32 s20, v0;
	v3 =	vld [tilespmem:s17+$0x470]  }
0x60: {  	[tilespmem:s17+$0x400] =	vst v0;
	v0 =	vld [tilespmem:s17+$0x460];
	v2 =	vadd.s32 s20, v2  }
0x61: {  	v6 =	vadd.s32 s20, v42;
	[tilespmem:s17+$0x420] =	vst v2;
	v2 =	vld [tilespmem:s17+$0x860]  }
0x62: {  	v43 =	vld [tilespmem:s17+$0x450];
	[tilespmem:s17+$0x30] =	vst v6;
	v1 =	vadd.s32 s20, v1  }
0x63: {  	v7 =	vadd.s32 s20, v40;
	[tilespmem:s17+$0x810] =	vst v1;
	v1 =	vld [tilespmem:s17+$0x410]  }
0x64: {  	v4 =	vld [tilespmem:s17+$0x50];
	[tilespmem:s17+$0x0] =	vst v7;
	v3 =	vadd.s32 s20, v3  }
0x65: {  	[tilespmem:s17+$0x470] =	vst v3;
	v0 =	vadd.s32 s20, v0;
	v3 =	vld [tilespmem:s17+$0xC70]  }
0x66: {  	[tilespmem:s17+$0x460] =	vst v0;
	v0 =	vadd.s32 s20, v2  }
0x67: {  	v2 =	vadd.s32 s20, v43;
	[tilespmem:s17+$0x860] =	vst v0  }
0x68: {  	v0 =	vadd.s32 s20, v1;
	[tilespmem:s17+$0x450] =	vst v2  }
0x69: {  	v1 =	vadd.s32 s20, v4;
	[tilespmem:s17+$0x410] =	vst v0  }
0x6a: {  	[tilespmem:s17+$0x50] =	vst v1;
	v0 =	vadd.s32 s20, v3  }
0x6b: {  	s26 =	sor.u32 $0x4000, s17;
	[tilespmem:s17+$0xC70] =	vst v0  }
0x6c: {  	[tilespmem:s26], [sflag:$0x1] =	stream.indirect.gather [hbm4b:s3+s12], $0x1, s17, s12, $0xb8;
	[tilespmem:$0x8280] =	vst v63  }
0x6d: {  	s28 =	sor.u32 $0x400, s17;
	s21 =	sor.u32 $0x4400, s17  }
0x6e: {  	[tilespmem:s21], [sflag:$0x1] =	stream.indirect.gather [hbm4b:s3+s12], $0x1, s28, s12, $0xb8;
	[tilespmem:$0x8280] =	vst v63  }
0x6f: {  	s29 =	sor.u32 $0x800, s17;
	s30 =	sor.u32 $0x4800, s17  }
0x70: {  	[tilespmem:s30], [sflag:$0x1] =	stream.indirect.gather [hbm4b:s3+s12], $0x1, s29, s12, $0xb8;
	[tilespmem:$0x8280] =	vst v63  }
0x71: {  	s31 =	sor.u32 $0xC00, s17;
	s22 =	sor.u32 s19, s18;
	s17 =	sor.u32 $0x4C00, s17  }
0x72: {  	[tilespmem:s17], [sflag:$0x1] =	stream.indirect.gather [hbm4b:s3+s12], $0x1, s31, s12, $0xb8;
	[tilespmem:$0x8280] =	vst v63  }
0x73: {  	v0 =	vld [tilespmem:s22+$0x850]  }
0x74: {  	v1 =	vld [tilespmem:s22+$0x830]  }
0x75: {  	v2 =	vld [tilespmem:s22+$0xC00]  }
0x76: {  	v3 =	vld [tilespmem:s22+$0x840]  }
0x77: {  	v44 =	vld [tilespmem:s22+$0xC50]  }
0x78: {  	v45 =	vld [tilespmem:s22+$0xC20];
	v0 =	vadd.s32 s16, v0  }
0x79: {  	v6 =	vld [tilespmem:s22+$0x70];
	v1 =	vadd.s32 s16, v1;
	[tilespmem:s22+$0x850] =	vst v0  }
0x7a: {  	v2 =	vadd.s32 s16, v2;
	v0 =	vld [tilespmem:s22+$0xC10];
	[tilespmem:s22+$0x830] =	vst v1  }
0x7b: {  	v3 =	vadd.s32 s16, v3;
	v1 =	vld [tilespmem:s22+$0x870];
	[tilespmem:s22+$0xC00] =	vst v2  }
0x7c: {  	v4 =	vadd.s32 s16, v44;
	v2 =	vld [tilespmem:s22+$0xC40];
	[tilespmem:s22+$0x840] =	vst v3  }
0x7d: {  	v5 =	vadd.s32 s16, v45;
	v3 =	vld [tilespmem:s22+$0xC30];
	[tilespmem:s22+$0xC50] =	vst v4  }
0x7e: {  	v46 =	vld [tilespmem:s22+$0xC60];
	v6 =	vadd.s32 s16, v6;
	[tilespmem:s22+$0xC20] =	vst v5  }
0x7f: {  	v47 =	vld [tilespmem:s22+$0x60];
	[tilespmem:s22+$0x70] =	vst v6;
	v0 =	vadd.s32 s16, v0  }
0x80: {  	v1 =	vadd.s32 s16, v1;
	[tilespmem:s22+$0xC10] =	vst v0;
	v0 =	vld [tilespmem:s22+$0x40]  }
0x81: {  	[tilespmem:s22+$0x870] =	vst v1;
	v1 =	vadd.s32 s16, v2;
	v2 =	vld [tilespmem:s22+$0x820]  }
0x82: {  	v3 =	vadd.s32 s16, v3;
	[tilespmem:s22+$0xC40] =	vst v1;
	v1 =	vld [tilespmem:s22+$0x800]  }
0x83: {  	v48 =	vld [tilespmem:s22+$0x20];
	[tilespmem:s22+$0xC30] =	vst v3;
	v3 =	vadd.s32 s16, v46  }
0x84: {  	v5 =	vadd.s32 s16, v47;
	[tilespmem:s22+$0xC60] =	vst v3;
	v3 =	vld [tilespmem:s22+$0x10]  }
0x85: {  	v49 =	vld [tilespmem:s22+$0x430];
	[tilespmem:s22+$0x60] =	vst v5;
	v0 =	vadd.s32 s16, v0  }
0x86: {  	v51 =	vld [tilespmem:s22+$0x420];
	v2 =	vadd.s32 s16, v2;
	[tilespmem:s22+$0x40] =	vst v0  }
0x87: {  	v53 =	vld [tilespmem:s22+$0x30];
	v1 =	vadd.s32 s16, v1;
	[tilespmem:s22+$0x820] =	vst v2  }
0x88: {  	v0 =	vld [tilespmem:s22+$0x400];
	v2 =	vadd.s32 s16, v48;
	[tilespmem:s22+$0x800] =	vst v1  }
0x89: {  	v50 =	vld [tilespmem:s22+$0x440];
	v1 =	vadd.s32 s16, v3;
	[tilespmem:s22+$0x20] =	vst v2  }
0x8a: {  	v2 =	vld [tilespmem:s22+$0x810];
	[tilespmem:s22+$0x10] =	vst v1;
	v1 =	vadd.s32 s16, v49  }
0x8b: {  	v4 =	vadd.s32 s16, v51;
	[tilespmem:s22+$0x430] =	vst v1;
	v1 =	vld [tilespmem:s22+$0x470]  }
0x8c: {  	v6 =	vadd.s32 s16, v53;
	[tilespmem:s22+$0x420] =	vst v4;
	v3 =	vld [tilespmem:s22+$0x0]  }
0x8d: {  	v52 =	vld [tilespmem:s22+$0x460];
	[tilespmem:s22+$0x30] =	vst v6;
	v0 =	vadd.s32 s16, v0  }
0x8e: {  	v54 =	vld [tilespmem:s22+$0x450];
	[tilespmem:s22+$0x400] =	vst v0;
	v0 =	vadd.s32 s16, v50  }
0x8f: {  	[tilespmem:s22+$0x440] =	vst v0;
	v0 =	vadd.s32 s16, v2;
	v2 =	vld [tilespmem:s22+$0x860]  }
0x90: {  	[tilespmem:s22+$0x810] =	vst v0;
	v0 =	vld [tilespmem:s22+$0x410];
	v1 =	vadd.s32 s16, v1  }
0x91: {  	v3 =	vadd.s32 s16, v3;
	[tilespmem:s22+$0x470] =	vst v1;
	v1 =	vld [tilespmem:s22+$0xC70]  }
0x92: {  	v55 =	vld [tilespmem:s22+$0x50];
	[tilespmem:s22+$0x0] =	vst v3;
	v3 =	vadd.s32 s16, v52  }
0x93: {  	[tilespmem:s22+$0x460] =	vst v3;
	v3 =	vadd.s32 s16, v54  }
0x94: {  	[tilespmem:s22+$0x450] =	vst v3;
	v2 =	vadd.s32 s16, v2  }
0x95: {  	[tilespmem:s22+$0x860] =	vst v2;
	v0 =	vadd.s32 s16, v0  }
0x96: {  	[tilespmem:s22+$0x410] =	vst v0;
	v0 =	vadd.s32 s16, v1  }
0x97: {  	v1 =	vadd.s32 s16, v55;
	[tilespmem:s22+$0xC70] =	vst v0  }
0x98: {  	s23 =	sor.u32 $0x4000, s22;
	[tilespmem:s22+$0x50] =	vst v1  }
0x99: {  	[tilespmem:s23], [sflag:$0x1] =	stream.indirect.gather [hbm4b:s3+s12], $0x1, s22, s12, $0xb8;
	[tilespmem:$0x8280] =	vst v63  }
0x9a: {  	s24 =	sor.u32 $0x400, s22;
	s18 =	sor.u32 $0x4400, s22  }
0x9b: {  	[tilespmem:s18], [sflag:$0x1] =	stream.indirect.gather [hbm4b:s3+s12], $0x1, s24, s12, $0xb8;
	[tilespmem:$0x8280] =	vst v63  }
0x9c: {  	s25 =	sor.u32 $0x800, s22;
	s26 =	sor.u32 $0x4800, s22  }
0x9d: {  	[tilespmem:s26], [sflag:$0x1] =	stream.indirect.gather [hbm4b:s3+s12], $0x1, s25, s12, $0xb8;
	[tilespmem:$0x8280] =	vst v63  }
0x9e: {  	s28 =	sor.u32 $0xC00, s22;
	s17 =	sor.u32 $0x4C00, s22  }
0x9f: {  	[tilespmem:s17], [sflag:$0x1] =	stream.indirect.gather [hbm4b:s3+s12], $0x1, s28, s12, $0xb8;
	[tilespmem:$0x8280] =	vst v63  }
0xa0: {  	_ =	swait.ge [sflag:s13], $0x200  }
0xa1: {  	[sflag:s13] =	ssyncset.done $0x0  }
0xa2: {  	[sflag:s13] =	ssyncadd.s32 $0xFFFFFE00  }
0xa3: {  	_ =	swait.ge [sflag:s13], $0x200  }
0xa4: {  	[sflag:s13] =	ssyncset.done $0x0  }
0xa5: {  	[sflag:s13] =	ssyncadd.s32 $0xFFFFFE00  }
0xa6: {  	_ =	swait.ge [sflag:s13], $0x200  }
0xa7: {  	[sflag:s13] =	ssyncset.done $0x0  }
0xa8: {  	[sflag:s13] =	ssyncadd.s32 $0xFFFFFE00  }
0xa9: {  	_ =	swait.ge [sflag:s13], $0x200  }
0xaa: {  	[sflag:s13] =	ssyncset.done $0x0  }
0xab: {  	[sflag:s13] =	ssyncadd.s32 $0xFFFFFE00  }
0xac: {  	_ =	swait.ge [sflag:s13], $0x200  }
0xad: {  	[sflag:s13] =	ssyncset.done $0x0  }
0xae: {  	[sflag:s13] =	ssyncadd.s32 $0xFFFFFE00  }
0xaf: {  	_ =	swait.ge [sflag:s13], $0x200  }
0xb0: {  	[sflag:s13] =	ssyncset.done $0x0  }
0xb1: {  	[sflag:s13] =	ssyncadd.s32 $0xFFFFFE00  }
0xb2: {  	_ =	swait.ge [sflag:s13], $0x200  }
0xb3: {  	[sflag:s13] =	ssyncset.done $0x0  }
0xb4: {  	[sflag:s13] =	ssyncadd.s32 $0xFFFFFE00  }
0xb5: {  	_ =	swait.ge [sflag:s13], $0x200  }
0xb6: {  	[sflag:s13] =	ssyncset.done $0x0  }
0xb7: {  	[sflag:s13] =	ssyncadd.s32 $0xFFFFFE00  }
0xb8: {  	_ =	swait.ge [sflag:s13], $0x200  }
0xb9: {  	[sflag:s13] =	ssyncset.done $0x0  }
0xba: {  	[sflag:s13] =	ssyncadd.s32 $0xFFFFFE00  }
0xbb: {  	_ =	swait.ge [sflag:s13], $0x200  }
0xbc: {  	[sflag:s13] =	ssyncset.done $0x0  }
0xbd: {  	[sflag:s13] =	ssyncadd.s32 $0xFFFFFE00  }
0xbe: {  	_ =	swait.ge [sflag:s13], $0x200  }
0xbf: {  	[sflag:s13] =	ssyncset.done $0x0  }
0xc0: {  	[sflag:s13] =	ssyncadd.s32 $0xFFFFFE00  }
0xc1: {  	_ =	swait.ge [sflag:s13], $0x200  }
0xc2: {  	[sflag:s13] =	ssyncset.done $0x0  }
0xc3: {  	[sflag:s13] =	ssyncadd.s32 $0xFFFFFE00  }
0xc4: {  	_ =	swait.ge [sflag:s13], $0x200  }
0xc5: {  	[sflag:s13] =	ssyncset.done $0x0  }
0xc6: {  	[sflag:s13] =	ssyncadd.s32 $0xFFFFFE00  }
0xc7: {  	_ =	swait.ge [sflag:s13], $0x200  }
0xc8: {  	[sflag:s13] =	ssyncset.done $0x0  }
0xc9: {  	[sflag:s13] =	ssyncadd.s32 $0xFFFFFE00  }
0xca: {  	_ =	swait.ge [sflag:s13], $0x200  }
0xcb: {  	[sflag:s13] =	ssyncset.done $0x0  }
0xcc: {  	[sflag:s13] =	ssyncadd.s32 $0xFFFFFE00  }
0xcd: {  	_ =	swait.ge [sflag:s13], $0x200  }
0xce: {  	[sflag:s13] =	ssyncset.done $0x0  }
0xcf: {  	[sflag:s13] =	ssyncadd.s32 $0xFFFFFE00  }
0xd0: {  	_ =	swait.ge [sflag:s13], $0x200  }
0xd1: {  	[sflag:s13] =	ssyncset.done $0x0  }
0xd2: {  	[sflag:s13] =	ssyncadd.s32 $0xFFFFFE00  }
0xd3: {  	_ =	swait.ge [sflag:s13], $0x200  }
0xd4: {  	[sflag:s13] =	ssyncset.done $0x0  }
0xd5: {  	[sflag:s13] =	ssyncadd.s32 $0xFFFFFE00  }
0xd6: {  	_ =	swait.ge [sflag:s13], $0x200  }
0xd7: {  	[sflag:s13] =	ssyncset.done $0x0  }
0xd8: {  	[sflag:s13] =	ssyncadd.s32 $0xFFFFFE00  }
0xd9: {  	_ =	swait.ge [sflag:s13], $0x200  }
0xda: {  	[sflag:s13] =	ssyncset.done $0x0  }
0xdb: {  	[sflag:s13] =	ssyncadd.s32 $0xFFFFFE00  }
0xdc: {  	_ =	swait.ge [sflag:s13], $0x200  }
0xdd: {  	[sflag:s13] =	ssyncset.done $0x0  }
0xde: {  	[sflag:s13] =	ssyncadd.s32 $0xFFFFFE00  }
0xdf: {  	_ =	swait.ge [sflag:s13], $0x200  }
0xe0: {  	[sflag:s13] =	ssyncset.done $0x0  }
0xe1: {  	[sflag:s13] =	ssyncadd.s32 $0xFFFFFE00  }
0xe2: {  	_ =	swait.ge [sflag:s13], $0x200  }
0xe3: {  	[sflag:s13] =	ssyncset.done $0x0  }
0xe4: {  	[sflag:s13] =	ssyncadd.s32 $0xFFFFFE00  }
0xe5: {  	_ =	swait.ge [sflag:s13], $0x200  }
0xe6: {  	[sflag:s13] =	ssyncset.done $0x0  }
0xe7: {  	[sflag:s13] =	ssyncadd.s32 $0xFFFFFE00  }
0xe8: {  	_ =	swait.ge [sflag:s13], $0x200  }
0xe9: {  	[sflag:s13] =	ssyncset.done $0x0  }
0xea: {  	[sflag:s13] =	ssyncadd.s32 $0xFFFFFE00  }
0xeb: {  	_ =	swait.ge [sflag:s13], $0x200  }
0xec: {  	s29 =	simm.s32 $0x0;
	[sflag:s13] =	ssyncset.done $0x0  }
0xed: {  	s30 =	sand.u32 $0x70, s29;
	s16 =	sand.u32 $0xC00, s29;
	[sflag:s13] =	ssyncadd.s32 $0xFFFFFE00  }
0xee: {  	s16 =	sor.u32 s30, s16;
	v0 =	vld [tilespmem:$0x8200]  }
0xef: {  	v1 =	vld [tilespmem:s16+$0x4000];
	_ =	sdelay $0x1  }
0xf0: {  	v2 =	vld [tilespmem:s16+$0x4080];
	_ =	sdelay $0x1  }
0xf1: {  	v3 =	vld [tilespmem:s16+$0x4100]  }
0xf2: {  	v1 =	vadd.f32 v1, v0  }
0xf3: {  	v56 =	vld [tilespmem:s16+$0x4180]  }
0xf4: {  	v1 =	vadd.f32 v2, v1  }
0xf5: {  	v2 =	vld [tilespmem:s16+$0x4200]  }
0xf6: {  	v1 =	vadd.f32 v3, v1  }
0xf7: {  	v3 =	vld [tilespmem:s16+$0x4280]  }
0xf8: {  	v1 =	vadd.f32 v56, v1  }
0xf9: {  	v57 =	vld [tilespmem:s16+$0x4300]  }
0xfa: {  	v1 =	vadd.f32 v2, v1  }
0xfb: {  	v2 =	vld [tilespmem:s16+$0x4380]  }
0xfc: {  	v1 =	vadd.f32 v3, v1  }
0xfd: {  	v3 =	vld [tilespmem:s16+$0x5000]  }
0xfe: {  	v1 =	vadd.f32 v57, v1  }
0xff: {  	v58 =	vld [tilespmem:s16+$0x5080]  }
0x100: {  	v1 =	vadd.f32 v2, v1  }
0x101: {  	v2 =	vld [tilespmem:s16+$0x5100]  }
0x102: {  	v1 =	vadd.f32 v3, v1  }
0x103: {  	v3 =	vld [tilespmem:s16+$0x5180]  }
0x104: {  	v1 =	vadd.f32 v58, v1  }
0x105: {  	v59 =	vld [tilespmem:s16+$0x5200]  }
0x106: {  	v1 =	vadd.f32 v2, v1  }
0x107: {  	v2 =	vld [tilespmem:s16+$0x5280]  }
0x108: {  	v1 =	vadd.f32 v3, v1  }
0x109: {  	v3 =	vld [tilespmem:s16+$0x5300]  }
0x10a: {  	v1 =	vadd.f32 v59, v1  }
0x10b: {  	v60 =	vld [tilespmem:s16+$0x5380]  }
0x10c: {  	v1 =	vadd.f32 v2, v1  }
0x10d: {  	v2 =	vld [tilespmem:s16+$0x6000]  }
0x10e: {  	v1 =	vadd.f32 v3, v1  }
0x10f: {  	v3 =	vld [tilespmem:s16+$0x6080]  }
0x110: {  	v1 =	vadd.f32 v60, v1  }
0x111: {  	v61 =	vld [tilespmem:s16+$0x6100]  }
0x112: {  	v1 =	vadd.f32 v2, v1  }
0x113: {  	v2 =	vld [tilespmem:s16+$0x6180]  }
0x114: {  	v1 =	vadd.f32 v3, v1  }
0x115: {  	v3 =	vld [tilespmem:s16+$0x6200]  }
0x116: {  	v1 =	vadd.f32 v61, v1  }
0x117: {  	v62 =	vld [tilespmem:s16+$0x6280]  }
0x118: {  	v1 =	vadd.f32 v2, v1  }
0x119: {  	v2 =	vld [tilespmem:s16+$0x6300]  }
0x11a: {  	v1 =	vadd.f32 v3, v1  }
0x11b: {  	v3 =	vld [tilespmem:s16+$0x6380]  }
0x11c: {  	v1 =	vadd.f32 v62, v1  }
0x11d: {  	v63 =	vld [tilespmem:s16+$0x7000]  }
0x11e: {  	v1 =	vadd.f32 v2, v1  }
0x11f: {  	v2 =	vld [tilespmem:s16+$0x7080]  }
0x120: {  	v1 =	vadd.f32 v3, v1;
	_ =	sdelay $0x1  }
0x121: {  	v1 =	vadd.f32 v63, v1  }
0x122: {  	s31 =	simm.s32 $0x10  }
0x123: {  	s19 =	sand.u32 $0x70, s31;
	s17 =	simm.s32 $0x80;
	v1 =	vadd.f32 v2, v1  }
0x124: {  	s18 =	simm.s32 $0x20;
	s20 =	sand.u32 $0xC00, s17;
	s16 =	simm.s32 $0x8000  }
.LBB2_4:
0x125: {  	p0 =	sne.s32 s18, $0x1F0;
	s19 =	sor.u32 s19, s20;
	[tilespmem:s16+$0x0] =	vst v1  }
0x126: {  	v1 =	vld [tilespmem:s19+$0x4000];
	_ =	sdelay $0x1  }
0x127: {  	v2 =	vld [tilespmem:s19+$0x4080];
	_ =	sdelay $0x1  }
0x128: {  	v3 =	vld [tilespmem:s19+$0x4100]  }
0x129: {  	v1 =	vadd.f32 v1, v0  }
0x12a: {  	v4 =	vld [tilespmem:s19+$0x4180]  }
0x12b: {  	v1 =	vadd.f32 v2, v1  }
0x12c: {  	v2 =	vld [tilespmem:s19+$0x4200]  }
0x12d: {  	v1 =	vadd.f32 v3, v1  }
0x12e: {  	v3 =	vld [tilespmem:s19+$0x4280]  }
0x12f: {  	v1 =	vadd.f32 v4, v1  }
0x130: {  	v4 =	vld [tilespmem:s19+$0x4300]  }
0x131: {  	v1 =	vadd.f32 v2, v1  }
0x132: {  	v2 =	vld [tilespmem:s19+$0x4380]  }
0x133: {  	v1 =	vadd.f32 v3, v1  }
0x134: {  	v3 =	vld [tilespmem:s19+$0x5000]  }
0x135: {  	v1 =	vadd.f32 v4, v1  }
0x136: {  	v4 =	vld [tilespmem:s19+$0x5080]  }
0x137: {  	v1 =	vadd.f32 v2, v1  }
0x138: {  	v2 =	vld [tilespmem:s19+$0x5100]  }
0x139: {  	v1 =	vadd.f32 v3, v1  }
0x13a: {  	v3 =	vld [tilespmem:s19+$0x5180]  }
0x13b: {  	v1 =	vadd.f32 v4, v1  }
0x13c: {  	v4 =	vld [tilespmem:s19+$0x5200]  }
0x13d: {  	v1 =	vadd.f32 v2, v1  }
0x13e: {  	v2 =	vld [tilespmem:s19+$0x5280]  }
0x13f: {  	v1 =	vadd.f32 v3, v1  }
0x140: {  	v3 =	vld [tilespmem:s19+$0x5300]  }
0x141: {  	v1 =	vadd.f32 v4, v1  }
0x142: {  	v4 =	vld [tilespmem:s19+$0x5380]  }
0x143: {  	v1 =	vadd.f32 v2, v1  }
0x144: {  	v2 =	vld [tilespmem:s19+$0x6000]  }
0x145: {  	v1 =	vadd.f32 v3, v1  }
0x146: {  	v3 =	vld [tilespmem:s19+$0x6080]  }
0x147: {  	v1 =	vadd.f32 v4, v1  }
0x148: {  	v4 =	vld [tilespmem:s19+$0x6100]  }
0x149: {  	v1 =	vadd.f32 v2, v1  }
0x14a: {  	v2 =	vld [tilespmem:s19+$0x6180]  }
0x14b: {  	v1 =	vadd.f32 v3, v1  }
0x14c: {  	v3 =	vld [tilespmem:s19+$0x6200]  }
0x14d: {  	v1 =	vadd.f32 v4, v1  }
0x14e: {  	v4 =	vld [tilespmem:s19+$0x6280]  }
0x14f: {  	v1 =	vadd.f32 v2, v1  }
0x150: {  	v2 =	vld [tilespmem:s19+$0x6300]  }
0x151: {  	v1 =	vadd.f32 v3, v1  }
0x152: {  	v3 =	vld [tilespmem:s19+$0x6380]  }
0x153: {  	v1 =	vadd.f32 v4, v1  }
0x154: {  	v4 =	vld [tilespmem:s19+$0x7000]  }
0x155: {  	v1 =	vadd.f32 v2, v1  }
0x156: {  	v2 =	vld [tilespmem:s19+$0x7080]  }
0x157: {  	v1 =	vadd.f32 v3, v1  }
.Ltmp1:
0x158: {  	(pc) =	sbr.rel @p0 .LBB2_4-.Ltmp1, $3  }
0x159: {  	v1 =	vadd.f32 v4, v1;
	_ =	sdelay $0x1  }
0x15a: {  	s17 =	sadd.s32 $0x80, s17;
	s16 =	sadd.s32 $0x10, s16;
	v1 =	vadd.f32 v2, v1  }
0x15b: {  	s20 =	sand.u32 $0xC00, s17;
	s19 =	sand.u32 $0x70, s18;
	s18 =	sadd.s32 $0x10, s18  }
0x15c: {  	s17 =	sor.u32 s19, s20;
	[tilespmem:s16+$0x0] =	vst v1  }
0x15d: {  	v1 =	vld [tilespmem:s17+$0x4000];
	_ =	sdelay $0x1  }
0x15e: {  	v2 =	vld [tilespmem:s17+$0x4080];
	_ =	sdelay $0x1  }
0x15f: {  	v3 =	vld [tilespmem:s17+$0x4100]  }
0x160: {  	v0 =	vadd.f32 v1, v0  }
0x161: {  	v41 =	vld [tilespmem:s17+$0x4180]  }
0x162: {  	v0 =	vadd.f32 v2, v0  }
0x163: {  	v42 =	vld [tilespmem:s17+$0x4200]  }
0x164: {  	v0 =	vadd.f32 v3, v0  }
0x165: {  	v43 =	vld [tilespmem:s17+$0x4280]  }
0x166: {  	v0 =	vadd.f32 v41, v0  }
0x167: {  	v44 =	vld [tilespmem:s17+$0x4300]  }
0x168: {  	v0 =	vadd.f32 v42, v0  }
0x169: {  	v45 =	vld [tilespmem:s17+$0x4380]  }
0x16a: {  	v0 =	vadd.f32 v43, v0  }
0x16b: {  	v46 =	vld [tilespmem:s17+$0x5000]  }
0x16c: {  	v0 =	vadd.f32 v44, v0  }
0x16d: {  	v47 =	vld [tilespmem:s17+$0x5080]  }
0x16e: {  	v0 =	vadd.f32 v45, v0  }
0x16f: {  	v48 =	vld [tilespmem:s17+$0x5100]  }
0x170: {  	v0 =	vadd.f32 v46, v0  }
0x171: {  	v49 =	vld [tilespmem:s17+$0x5180]  }
0x172: {  	v0 =	vadd.f32 v47, v0  }
0x173: {  	v50 =	vld [tilespmem:s17+$0x5200]  }
0x174: {  	v0 =	vadd.f32 v48, v0  }
0x175: {  	v51 =	vld [tilespmem:s17+$0x5280]  }
0x176: {  	v0 =	vadd.f32 v49, v0  }
0x177: {  	v52 =	vld [tilespmem:s17+$0x5300]  }
0x178: {  	v0 =	vadd.f32 v50, v0  }
0x179: {  	v53 =	vld [tilespmem:s17+$0x5380]  }
0x17a: {  	v0 =	vadd.f32 v51, v0  }
0x17b: {  	v54 =	vld [tilespmem:s17+$0x6000]  }
0x17c: {  	v0 =	vadd.f32 v52, v0  }
0x17d: {  	v55 =	vld [tilespmem:s17+$0x6080]  }
0x17e: {  	v0 =	vadd.f32 v53, v0  }
0x17f: {  	v56 =	vld [tilespmem:s17+$0x6100]  }
0x180: {  	v0 =	vadd.f32 v54, v0  }
0x181: {  	v57 =	vld [tilespmem:s17+$0x6180]  }
0x182: {  	v0 =	vadd.f32 v55, v0  }
0x183: {  	v58 =	vld [tilespmem:s17+$0x6200]  }
0x184: {  	v0 =	vadd.f32 v56, v0  }
0x185: {  	v59 =	vld [tilespmem:s17+$0x6280]  }
0x186: {  	v0 =	vadd.f32 v57, v0  }
0x187: {  	v60 =	vld [tilespmem:s17+$0x6300]  }
0x188: {  	v0 =	vadd.f32 v58, v0  }
0x189: {  	v61 =	vld [tilespmem:s17+$0x6380]  }
0x18a: {  	v0 =	vadd.f32 v59, v0  }
0x18b: {  	v62 =	vld [tilespmem:s17+$0x7000]  }
0x18c: {  	v0 =	vadd.f32 v60, v0  }
0x18d: {  	v63 =	vld [tilespmem:s17+$0x7080]  }
0x18e: {  	v0 =	vadd.f32 v61, v0;
	_ =	sdelay $0x1  }
0x18f: {  	v0 =	vadd.f32 v62, v0;
	_ =	sdelay $0x1  }
0x190: {  	s15 =	sadd.s32 $0x1, s15;
	v0 =	vadd.f32 v63, v0  }
0x191: {  	s31 =	sadd.s32 $0x10, s16;
	p0 =	sne.s32 s15, s7  }
.Ltmp2:
0x192: {  	[tilespmem:s31+$0x0] =	vst v0;
	(pc) =	sbr.rel @p0 .LBB2_1-.Ltmp2, $4  }
0x193: {  	[hbm4b:s6+s2] =	stream.linear.scatter [tilespmem:s14], [sflag:$0x2], $0x200, $0x38;
	[tilespmem:$0x8280] =	vst v63  }
0x194: {  	_ =	swait.ge [sflag:s10], $0x200  }
0x195: {  	[sflag:s10] =	ssyncset.done $0x0  }
0x196: {  	[sflag:s10] =	ssyncadd.s32 $0xFFFFFE00  }
0x197: {  	_ =	sfence.sel $0x180000  }
0x198: {  	[bflag:$0x0] =	sbarrier.arrive $0xFFFF  }
0x199: {  	p0 =	sne.s32 s1, $0x0;
	_ =	strace $0x90000047  }
0x19a: {  	s0 =	sadd.s32 @!p0 $0x100000, s0;
	[bflag:$0x2] =	sbarrier.arrive $0xFFFF  }
0x19b: {  	[sflag:s0] =	ssyncadd.tile.s32 @!p0 $0x1;
	_ =	shalt  }
.Lfunc_end2:
_tile_overlayer_lowered:
.L_overlay_start_2:
0x19c: {  	(tag) =	ssettag $0x2  }
0x19d: {  	s0 =	rddreg [dreg:$0x0];
	s2 =	stileid.u32  }
0x19e: {  	s1 =	rddreg [dreg:$0x1];
	p0 =	sne.s32 s2, $0x0  }
0x19f: {  	s3 =	rddreg [dreg:$0x2];
	[bflag:$0x3] =	sbarrier.arrive $0xFFFF;
	s2 =	simm.s32 @!p0 $0x1C02  }
0x1a0: {  	[timem:s3], [sflag:s2] =	dma.local @!p0 [hbm:s0], s1  }
0x1a1: {  	s0 =	simm.s32 @!p0 $0x2  }
0x1a2: {  	_ =	swait.ge @!p0 [sflag:s0], s1  }
0x1a3: {  	s1 =	ssub.s32 @!p0 $0x0, s1;
	[sflag:s0] =	ssyncset.done @!p0 $0x0  }
0x1a4: {  	[sflag:s0] =	ssyncadd.s32 @!p0 s1  }
0x1a5: {  	[bflag:$0x3] =	sbarrier.arrive $0xFFFF  }
0x1a6: {  	_ =	shalt  }

</sc_bundles>
